<compile_context>
chip_gen: v7x
topology: tpu7x:2x2x1
jax: 0.10.2.dev20260603
libtpu: 0.0.44.dev20260713+nightly
codegen_flags: <defaults>
</compile_context>

<pallas_src>
import functools

import jax
import jax.numpy as jnp
from jax import lax
from jax.experimental import pallas as pl
from jax.experimental.pallas import tpu as pltpu
from jax.experimental.pallas import tpu_sc as plsc

N = 8388608

TC_N = 6291456
SC_N = N - TC_N

NC = 2
NS = 16
L = 16
NW = NC * NS
PER_W = SC_N // NW
CHUNK = 16384
NCH = PER_W // CHUNK
UNROLL = 4

TC_COLS = 128
TC_BR = 4096
TC_GRID = TC_N // (TC_BR * TC_COLS)
TC_ROWS_ALL = N // TC_COLS


def _weight(t):
    a = jnp.abs(t)
    return jnp.where(a > 10.0, 0.0,
                     jnp.where(a > 1.0, 1.0,
                               jnp.where(a > 0.5, 2.0, 5.0)))


def _wd2(p, t):
    d = p - t
    return _weight(t) * (d * d)



def _wsum_chunk(p_ref, t_ref, accs):
    def body(j, accs):
        base = j * (L * UNROLL)
        return tuple(
            accs[u] + _wd2(p_ref[pl.ds(base + u * L, L)],
                           t_ref[pl.ds(base + u * L, L)])
            for u in range(UNROLL))

    return lax.fori_loop(0, CHUNK // (L * UNROLL), body, accs)


def _sc_body(pred_hbm, targ_hbm, out_hbm, p0, t0, p1, t1, accv, sem0, sem1):
    c = lax.axis_index("c")
    s = lax.axis_index("s")
    wid = s * NC + c
    base = TC_N + wid * PER_W

    bufs = ((p0, t0, sem0), (p1, t1, sem1))

    def start(k):
        pb, tb, sem = bufs[k % 2]
        off = base + k * CHUNK
        cp = pltpu.async_copy(pred_hbm.at[pl.ds(off, CHUNK)], pb, sem)
        ct = pltpu.async_copy(targ_hbm.at[pl.ds(off, CHUNK)], tb, sem)
        return cp, ct

    accs = tuple(jnp.zeros((L,), jnp.float32) for _ in range(UNROLL))
    inflight = {0: start(0)}
    for k in range(NCH):
        if k + 1 < NCH:
            inflight[k + 1] = start(k + 1)
        cp, ct = inflight.pop(k)
        cp.wait()
        ct.wait()
        pb, tb, _ = bufs[k % 2]
        accs = _wsum_chunk(pb, tb, accs)

    accv[...] = (accs[0] + accs[1]) + (accs[2] + accs[3])
    pltpu.sync_copy(accv, out_hbm.at[pl.ds(wid * L, L)])


_sc_call = functools.partial(
    pl.kernel,
    mesh=plsc.VectorSubcoreMesh(core_axis_name="c", subcore_axis_name="s"),
    out_type=jax.ShapeDtypeStruct((NW * L,), jnp.float32),
    scratch_types=[
        pltpu.VMEM((CHUNK,), jnp.float32),
        pltpu.VMEM((CHUNK,), jnp.float32),
        pltpu.VMEM((CHUNK,), jnp.float32),
        pltpu.VMEM((CHUNK,), jnp.float32),
        pltpu.VMEM((L,), jnp.float32),
        pltpu.SemaphoreType.DMA,
        pltpu.SemaphoreType.DMA,
    ],
)(_sc_body)



def _tc_body(p_ref, t_ref, out_ref):
    i = pl.program_id(0)

    @pl.when(i == 0)
    def _():
        out_ref[...] = jnp.zeros_like(out_ref)

    x = _wd2(p_ref[...], t_ref[...])
    out_ref[...] += jnp.sum(x, axis=0, keepdims=True)


_tc_call = pl.pallas_call(
    _tc_body,
    grid=(TC_GRID,),
    in_specs=[
        pl.BlockSpec((TC_BR, TC_COLS), lambda i: (i, 0)),
        pl.BlockSpec((TC_BR, TC_COLS), lambda i: (i, 0)),
    ],
    out_specs=pl.BlockSpec((1, TC_COLS), lambda i: (0, 0)),
    out_shape=jax.ShapeDtypeStruct((1, TC_COLS), jnp.float32),
)


def kernel(predicted, target):
    p2 = predicted.reshape(TC_ROWS_ALL, TC_COLS)
    t2 = target.reshape(TC_ROWS_ALL, TC_COLS)
    tc_part = _tc_call(p2, t2)
    sc_part = _sc_call(predicted, target)
    return (jnp.sum(tc_part) + jnp.sum(sc_part)) * (1.0 / 16.0)

# --- scband reference (transcript-rebuilt; emitter-appended) ---
"""Pipeline reference for scband-weighted-mseloss-60335700574782 (READ-ONLY COPY).

The authoritative reference and input builder live on the scoring server;
editing this copy changes nothing except your own understanding.
"""

import jax, jax.numpy as jnp
import numpy as np

WEIGHTS = jnp.array([1.0, 2.0, 5.0, 5.0, 2.0, 1.0], dtype=jnp.float32)
EDGES = jnp.array([-10.0, -1.0, -0.5, 0.0, 0.5, 1.0, 10.0], dtype=jnp.float32)

N = 8388608

def setup_inputs(seed: int = 0) -> dict:
    key = jax.random.key(seed)
    k1, k2 = jax.random.split(key)
    predicted = jax.random.normal(k1, (N,), dtype=jnp.float32)
    target = jax.random.normal(k2, (N,), dtype=jnp.float32)
    return {"predicted": predicted, "target": target}

def reference(predicted, target):
    # Bin assignment: element belongs to bin i iff target > EDGES[i] and target <= EDGES[i+1]
    # searchsorted(side='left') returns first j with EDGES[j] >= t, so bin = j - 1.
    bin_idx = jnp.searchsorted(EDGES, target, side='left') - 1
    n_bins = EDGES.shape[0] - 1
    valid = (bin_idx >= 0) & (bin_idx < n_bins)
    bin_clamped = jnp.clip(bin_idx, 0, n_bins - 1)
    w = jnp.where(valid, WEIGHTS[bin_clamped], 0.0)
    sq_err = (predicted - target) ** 2
    loss = jnp.sum(w * sq_err) / jnp.sum(WEIGHTS)
    return loss

if __name__ == "__main__":
    import jax
    _d = setup_inputs()
    print(jax.jit(kernel)(*tuple(_d.values())))

</pallas_src>

<mosaic_0001>
#map = affine_map<(d0, d1) -> (0)>
module attributes {stable_mosaic.version = 14 : i64} {
  func.func @_sc_body(%arg0: i32, %arg1: i32, %arg2: memref<8388608xf32, #tpu.memory_space<hbm>>, %arg3: memref<8388608xf32, #tpu.memory_space<hbm>>, %arg4: memref<512xf32, #tpu.memory_space<hbm>>, %arg5: memref<16384xf32, #tpu.memory_space<vmem>>, %arg6: memref<16384xf32, #tpu.memory_space<vmem>>, %arg7: memref<16384xf32, #tpu.memory_space<vmem>>, %arg8: memref<16384xf32, #tpu.memory_space<vmem>>, %arg9: memref<16xf32, #tpu.memory_space<vmem>>, %arg10: memref<!tpu.dma_semaphore, #tpu.memory_space<semaphore_mem>>, %arg11: memref<!tpu.dma_semaphore, #tpu.memory_space<semaphore_mem>>) attributes {dimension_semantics = [#tpu.dimension_semantics<core_parallel>, #tpu.dimension_semantics<subcore_parallel>], iteration_bounds = array<i64: 2, 16>, scalar_prefetch = 0 : i64, scratch_operands = 7 : i64, tpu.core_type = #tpu.core_type<sc_vector_subcore>, window_params = [{transform_indices = #map}, {transform_indices = #map}, {transform_indices = #map}]} {
    %mul3A = arith.constant 2 : i32
    %mul3A_0 = arith.muli %arg1, %mul3A : i32
    %add3A = arith.addi %mul3A_0, %arg0 : i32
    %mul3A_1 = arith.constant 65536 : i32
    %mul3A_2 = arith.muli %add3A, %mul3A_1 : i32
    %add3A_3 = arith.constant 6291456 : i32
    %add3A_4 = arith.addi %add3A_3, %mul3A_2 : i32
    %broadcast_in_dim3A = arith.constant 0.000000e+00 : f32
    %broadcast_in_dim3A_5 = vector.broadcast %broadcast_in_dim3A : f32 to vector<16xf32>
    %broadcast_in_dim3A_6 = arith.constant 0.000000e+00 : f32
    %broadcast_in_dim3A_7 = vector.broadcast %broadcast_in_dim3A_6 : f32 to vector<16xf32>
    %broadcast_in_dim3A_8 = arith.constant 0.000000e+00 : f32
    %broadcast_in_dim3A_9 = vector.broadcast %broadcast_in_dim3A_8 : f32 to vector<16xf32>
    %broadcast_in_dim3A_10 = arith.constant 0.000000e+00 : f32
    %broadcast_in_dim3A_11 = vector.broadcast %broadcast_in_dim3A_10 : f32 to vector<16xf32>
    %add3A_12 = arith.constant 0 : i32
    %add3A_13 = arith.addi %add3A_4, %add3A_12 : i32
    %dma_start3A = tpu.memref_slice %arg2[%add3A_13] : memref<8388608xf32, #tpu.memory_space<hbm>> -> memref<16384xf32, #tpu.memory_space<hbm>>
    %dma_start3A_14 = tpu.memref_slice %arg2[%add3A_13] : memref<8388608xf32, #tpu.memory_space<hbm>> -> memref<16384xf32, #tpu.memory_space<hbm>>
    tpu.enqueue_dma source(%dma_start3A_14 : memref<16384xf32, #tpu.memory_space<hbm>>) target(%arg5 : memref<16384xf32, #tpu.memory_space<vmem>>) target_semaphore(%arg10 : memref<!tpu.dma_semaphore, #tpu.memory_space<semaphore_mem>>)
    %dma_start3A_15 = tpu.memref_slice %arg3[%add3A_13] : memref<8388608xf32, #tpu.memory_space<hbm>> -> memref<16384xf32, #tpu.memory_space<hbm>>
    %dma_start3A_16 = tpu.memref_slice %arg3[%add3A_13] : memref<8388608xf32, #tpu.memory_space<hbm>> -> memref<16384xf32, #tpu.memory_space<hbm>>
    tpu.enqueue_dma source(%dma_start3A_16 : memref<16384xf32, #tpu.memory_space<hbm>>) target(%arg6 : memref<16384xf32, #tpu.memory_space<vmem>>) target_semaphore(%arg10 : memref<!tpu.dma_semaphore, #tpu.memory_space<semaphore_mem>>)
    %add3A_17 = arith.constant 16384 : i32
    %add3A_18 = arith.addi %add3A_4, %add3A_17 : i32
    %dma_start3A_19 = tpu.memref_slice %arg2[%add3A_18] : memref<8388608xf32, #tpu.memory_space<hbm>> -> memref<16384xf32, #tpu.memory_space<hbm>>
    %dma_start3A_20 = tpu.memref_slice %arg2[%add3A_18] : memref<8388608xf32, #tpu.memory_space<hbm>> -> memref<16384xf32, #tpu.memory_space<hbm>>
    tpu.enqueue_dma source(%dma_start3A_20 : memref<16384xf32, #tpu.memory_space<hbm>>) target(%arg7 : memref<16384xf32, #tpu.memory_space<vmem>>) target_semaphore(%arg11 : memref<!tpu.dma_semaphore, #tpu.memory_space<semaphore_mem>>)
    %dma_start3A_21 = tpu.memref_slice %arg3[%add3A_18] : memref<8388608xf32, #tpu.memory_space<hbm>> -> memref<16384xf32, #tpu.memory_space<hbm>>
    %dma_start3A_22 = tpu.memref_slice %arg3[%add3A_18] : memref<8388608xf32, #tpu.memory_space<hbm>> -> memref<16384xf32, #tpu.memory_space<hbm>>
    tpu.enqueue_dma source(%dma_start3A_22 : memref<16384xf32, #tpu.memory_space<hbm>>) target(%arg8 : memref<16384xf32, #tpu.memory_space<vmem>>) target_semaphore(%arg11 : memref<!tpu.dma_semaphore, #tpu.memory_space<semaphore_mem>>)
    %dma_wait3A = tpu.memref_slice %arg2[%add3A_13] : memref<8388608xf32, #tpu.memory_space<hbm>> -> memref<16384xf32, #tpu.memory_space<hbm>>
    %dma_wait3A_23 = tpu.memref_slice %arg2[%add3A_13] : memref<8388608xf32, #tpu.memory_space<hbm>> -> memref<16384xf32, #tpu.memory_space<hbm>>
    tpu.wait_dma2 semaphore(%arg10 : memref<!tpu.dma_semaphore, #tpu.memory_space<semaphore_mem>>) src(%dma_wait3A_23 : memref<16384xf32, #tpu.memory_space<hbm>>) dst(%arg5 : memref<16384xf32, #tpu.memory_space<vmem>>)
    %dma_wait3A_24 = tpu.memref_slice %arg3[%add3A_13] : memref<8388608xf32, #tpu.memory_space<hbm>> -> memref<16384xf32, #tpu.memory_space<hbm>>
    %dma_wait3A_25 = tpu.memref_slice %arg3[%add3A_13] : memref<8388608xf32, #tpu.memory_space<hbm>> -> memref<16384xf32, #tpu.memory_space<hbm>>
    tpu.wait_dma2 semaphore(%arg10 : memref<!tpu.dma_semaphore, #tpu.memory_space<semaphore_mem>>) src(%dma_wait3A_25 : memref<16384xf32, #tpu.memory_space<hbm>>) dst(%arg6 : memref<16384xf32, #tpu.memory_space<vmem>>)
    %scan3A = arith.constant 0 : i32
    %scan3A_26 = arith.constant 256 : i32
    %scan3A_27 = arith.addi %scan3A, %scan3A_26 : i32
    %scan3A_28 = arith.constant 1 : i32
    %scan3A_29:4 = scf.for %scan3A_81 = %scan3A to %scan3A_27 step %scan3A_28 iter_args(%scan3A_82 = %broadcast_in_dim3A_5, %scan3A_83 = %broadcast_in_dim3A_7, %scan3A_84 = %broadcast_in_dim3A_9, %scan3A_85 = %broadcast_in_dim3A_11) -> (vector<16xf32>, vector<16xf32>, vector<16xf32>, vector<16xf32>)  : i32 {
      %mul3A_86 = arith.constant 64 : i32
      %mul3A_87 = arith.muli %scan3A_81, %mul3A_86 : i32
      %add3A_88 = arith.constant 0 : i32
      %add3A_89 = arith.addi %mul3A_87, %add3A_88 : i32
      %get3A = arith.index_cast %add3A_89 : i32 to index
      %get3A_90 = tpu.vector_load %arg5[%get3A] {strides = array<i32>} : memref<16384xf32, #tpu.memory_space<vmem>>, vector<16xf32>,
      %get3A_91 = vector.shape_cast %get3A_90 : vector<16xf32> to vector<16xf32>
      %add3A_92 = arith.constant 0 : i32
      %add3A_93 = arith.addi %mul3A_87, %add3A_92 : i32
      %get3A_94 = arith.index_cast %add3A_93 : i32 to index
      %get3A_95 = tpu.vector_load %arg6[%get3A_94] {strides = array<i32>} : memref<16384xf32, #tpu.memory_space<vmem>>, vector<16xf32>,
      %get3A_96 = vector.shape_cast %get3A_95 : vector<16xf32> to vector<16xf32>
      %sub3A = arith.subf %get3A_91, %get3A_96 : vector<16xf32>
      %abs3A = math.absf %get3A_96 : vector<16xf32>
      %gt3A = arith.constant 1.000000e+01 : f32
      %gt3A_97 = vector.broadcast %gt3A : f32 to vector<16xf32>
      %gt3A_98 = arith.cmpf ogt, %abs3A, %gt3A_97 : vector<16xf32>
      %gt3A_99 = arith.constant 1.000000e+00 : f32
      %gt3A_100 = vector.broadcast %gt3A_99 : f32 to vector<16xf32>
      %gt3A_101 = arith.cmpf ogt, %abs3A, %gt3A_100 : vector<16xf32>
      %gt3A_102 = arith.constant 5.000000e-01 : f32
      %gt3A_103 = vector.broadcast %gt3A_102 : f32 to vector<16xf32>
      %gt3A_104 = arith.cmpf ogt, %abs3A, %gt3A_103 : vector<16xf32>
      %jit3A = arith.constant 2.000000e+00 : f32
      %jit3A_105 = arith.constant 5.000000e+00 : f32
      %broadcast_in_dim3A_106 = vector.broadcast %jit3A : f32 to vector<16xf32>
      %broadcast_in_dim3A_107 = vector.broadcast %jit3A_105 : f32 to vector<16xf32>
      %select_n3A = arith.select %gt3A_104, %broadcast_in_dim3A_106, %broadcast_in_dim3A_107 : vector<16xi1>, vector<16xf32>
      %jit3A_108 = arith.constant 1.000000e+00 : f32
      %broadcast_in_dim3A_109 = vector.broadcast %jit3A_108 : f32 to vector<16xf32>
      %select_n3A_110 = arith.select %gt3A_101, %broadcast_in_dim3A_109, %select_n3A : vector<16xi1>, vector<16xf32>
      %jit3A_111 = arith.constant 0.000000e+00 : f32
      %broadcast_in_dim3A_112 = vector.broadcast %jit3A_111 : f32 to vector<16xf32>
      %select_n3A_113 = arith.select %gt3A_98, %broadcast_in_dim3A_112, %select_n3A_110 : vector<16xi1>, vector<16xf32>
      %mul3A_114 = arith.mulf %sub3A, %sub3A : vector<16xf32>
      %mul3A_115 = arith.mulf %select_n3A_113, %mul3A_114 : vector<16xf32>
      %add3A_116 = arith.addf %scan3A_82, %mul3A_115 : vector<16xf32>
      %add3A_117 = arith.constant 16 : i32
      %add3A_118 = arith.addi %mul3A_87, %add3A_117 : i32
      %get3A_119 = arith.index_cast %add3A_118 : i32 to index
      %get3A_120 = tpu.vector_load %arg5[%get3A_119] {strides = array<i32>} : memref<16384xf32, #tpu.memory_space<vmem>>, vector<16xf32>,
      %get3A_121 = vector.shape_cast %get3A_120 : vector<16xf32> to vector<16xf32>
      %add3A_122 = arith.constant 16 : i32
      %add3A_123 = arith.addi %mul3A_87, %add3A_122 : i32
      %get3A_124 = arith.index_cast %add3A_123 : i32 to index
      %get3A_125 = tpu.vector_load %arg6[%get3A_124] {strides = array<i32>} : memref<16384xf32, #tpu.memory_space<vmem>>, vector<16xf32>,
      %get3A_126 = vector.shape_cast %get3A_125 : vector<16xf32> to vector<16xf32>
      %sub3A_127 = arith.subf %get3A_121, %get3A_126 : vector<16xf32>
      %abs3A_128 = math.absf %get3A_126 : vector<16xf32>
      %gt3A_129 = arith.constant 1.000000e+01 : f32
      %gt3A_130 = vector.broadcast %gt3A_129 : f32 to vector<16xf32>
      %gt3A_131 = arith.cmpf ogt, %abs3A_128, %gt3A_130 : vector<16xf32>
      %gt3A_132 = arith.constant 1.000000e+00 : f32
      %gt3A_133 = vector.broadcast %gt3A_132 : f32 to vector<16xf32>
      %gt3A_134 = arith.cmpf ogt, %abs3A_128, %gt3A_133 : vector<16xf32>
      %gt3A_135 = arith.constant 5.000000e-01 : f32
      %gt3A_136 = vector.broadcast %gt3A_135 : f32 to vector<16xf32>
      %gt3A_137 = arith.cmpf ogt, %abs3A_128, %gt3A_136 : vector<16xf32>
      %jit3A_138 = arith.constant 2.000000e+00 : f32
      %jit3A_139 = arith.constant 5.000000e+00 : f32
      %broadcast_in_dim3A_140 = vector.broadcast %jit3A_138 : f32 to vector<16xf32>
      %broadcast_in_dim3A_141 = vector.broadcast %jit3A_139 : f32 to vector<16xf32>
      %select_n3A_142 = arith.select %gt3A_137, %broadcast_in_dim3A_140, %broadcast_in_dim3A_141 : vector<16xi1>, vector<16xf32>
      %jit3A_143 = arith.constant 1.000000e+00 : f32
      %broadcast_in_dim3A_144 = vector.broadcast %jit3A_143 : f32 to vector<16xf32>
      %select_n3A_145 = arith.select %gt3A_134, %broadcast_in_dim3A_144, %select_n3A_142 : vector<16xi1>, vector<16xf32>
      %jit3A_146 = arith.constant 0.000000e+00 : f32
      %broadcast_in_dim3A_147 = vector.broadcast %jit3A_146 : f32 to vector<16xf32>
      %select_n3A_148 = arith.select %gt3A_131, %broadcast_in_dim3A_147, %select_n3A_145 : vector<16xi1>, vector<16xf32>
      %mul3A_149 = arith.mulf %sub3A_127, %sub3A_127 : vector<16xf32>
      %mul3A_150 = arith.mulf %select_n3A_148, %mul3A_149 : vector<16xf32>
      %add3A_151 = arith.addf %scan3A_83, %mul3A_150 : vector<16xf32>
      %add3A_152 = arith.constant 32 : i32
      %add3A_153 = arith.addi %mul3A_87, %add3A_152 : i32
      %get3A_154 = arith.index_cast %add3A_153 : i32 to index
      %get3A_155 = tpu.vector_load %arg5[%get3A_154] {strides = array<i32>} : memref<16384xf32, #tpu.memory_space<vmem>>, vector<16xf32>,
      %get3A_156 = vector.shape_cast %get3A_155 : vector<16xf32> to vector<16xf32>
      %add3A_157 = arith.constant 32 : i32
      %add3A_158 = arith.addi %mul3A_87, %add3A_157 : i32
      %get3A_159 = arith.index_cast %add3A_158 : i32 to index
      %get3A_160 = tpu.vector_load %arg6[%get3A_159] {strides = array<i32>} : memref<16384xf32, #tpu.memory_space<vmem>>, vector<16xf32>,
      %get3A_161 = vector.shape_cast %get3A_160 : vector<16xf32> to vector<16xf32>
      %sub3A_162 = arith.subf %get3A_156, %get3A_161 : vector<16xf32>
      %abs3A_163 = math.absf %get3A_161 : vector<16xf32>
      %gt3A_164 = arith.constant 1.000000e+01 : f32
      %gt3A_165 = vector.broadcast %gt3A_164 : f32 to vector<16xf32>
      %gt3A_166 = arith.cmpf ogt, %abs3A_163, %gt3A_165 : vector<16xf32>
      %gt3A_167 = arith.constant 1.000000e+00 : f32
      %gt3A_168 = vector.broadcast %gt3A_167 : f32 to vector<16xf32>
      %gt3A_169 = arith.cmpf ogt, %abs3A_163, %gt3A_168 : vector<16xf32>
      %gt3A_170 = arith.constant 5.000000e-01 : f32
      %gt3A_171 = vector.broadcast %gt3A_170 : f32 to vector<16xf32>
      %gt3A_172 = arith.cmpf ogt, %abs3A_163, %gt3A_171 : vector<16xf32>
      %jit3A_173 = arith.constant 2.000000e+00 : f32
      %jit3A_174 = arith.constant 5.000000e+00 : f32
      %broadcast_in_dim3A_175 = vector.broadcast %jit3A_173 : f32 to vector<16xf32>
      %broadcast_in_dim3A_176 = vector.broadcast %jit3A_174 : f32 to vector<16xf32>
      %select_n3A_177 = arith.select %gt3A_172, %broadcast_in_dim3A_175, %broadcast_in_dim3A_176 : vector<16xi1>, vector<16xf32>
      %jit3A_178 = arith.constant 1.000000e+00 : f32
      %broadcast_in_dim3A_179 = vector.broadcast %jit3A_178 : f32 to vector<16xf32>
      %select_n3A_180 = arith.select %gt3A_169, %broadcast_in_dim3A_179, %select_n3A_177 : vector<16xi1>, vector<16xf32>
      %jit3A_181 = arith.constant 0.000000e+00 : f32
      %broadcast_in_dim3A_182 = vector.broadcast %jit3A_181 : f32 to vector<16xf32>
      %select_n3A_183 = arith.select %gt3A_166, %broadcast_in_dim3A_182, %select_n3A_180 : vector<16xi1>, vector<16xf32>
      %mul3A_184 = arith.mulf %sub3A_162, %sub3A_162 : vector<16xf32>
      %mul3A_185 = arith.mulf %select_n3A_183, %mul3A_184 : vector<16xf32>
      %add3A_186 = arith.addf %scan3A_84, %mul3A_185 : vector<16xf32>
      %add3A_187 = arith.constant 48 : i32
      %add3A_188 = arith.addi %mul3A_87, %add3A_187 : i32
      %get3A_189 = arith.index_cast %add3A_188 : i32 to index
      %get3A_190 = tpu.vector_load %arg5[%get3A_189] {strides = array<i32>} : memref<16384xf32, #tpu.memory_space<vmem>>, vector<16xf32>,
      %get3A_191 = vector.shape_cast %get3A_190 : vector<16xf32> to vector<16xf32>
      %add3A_192 = arith.constant 48 : i32
      %add3A_193 = arith.addi %mul3A_87, %add3A_192 : i32
      %get3A_194 = arith.index_cast %add3A_193 : i32 to index
      %get3A_195 = tpu.vector_load %arg6[%get3A_194] {strides = array<i32>} : memref<16384xf32, #tpu.memory_space<vmem>>, vector<16xf32>,
      %get3A_196 = vector.shape_cast %get3A_195 : vector<16xf32> to vector<16xf32>
      %sub3A_197 = arith.subf %get3A_191, %get3A_196 : vector<16xf32>
      %abs3A_198 = math.absf %get3A_196 : vector<16xf32>
      %gt3A_199 = arith.constant 1.000000e+01 : f32
      %gt3A_200 = vector.broadcast %gt3A_199 : f32 to vector<16xf32>
      %gt3A_201 = arith.cmpf ogt, %abs3A_198, %gt3A_200 : vector<16xf32>
      %gt3A_202 = arith.constant 1.000000e+00 : f32
      %gt3A_203 = vector.broadcast %gt3A_202 : f32 to vector<16xf32>
      %gt3A_204 = arith.cmpf ogt, %abs3A_198, %gt3A_203 : vector<16xf32>
      %gt3A_205 = arith.constant 5.000000e-01 : f32
      %gt3A_206 = vector.broadcast %gt3A_205 : f32 to vector<16xf32>
      %gt3A_207 = arith.cmpf ogt, %abs3A_198, %gt3A_206 : vector<16xf32>
      %jit3A_208 = arith.constant 2.000000e+00 : f32
      %jit3A_209 = arith.constant 5.000000e+00 : f32
      %broadcast_in_dim3A_210 = vector.broadcast %jit3A_208 : f32 to vector<16xf32>
      %broadcast_in_dim3A_211 = vector.broadcast %jit3A_209 : f32 to vector<16xf32>
      %select_n3A_212 = arith.select %gt3A_207, %broadcast_in_dim3A_210, %broadcast_in_dim3A_211 : vector<16xi1>, vector<16xf32>
      %jit3A_213 = arith.constant 1.000000e+00 : f32
      %broadcast_in_dim3A_214 = vector.broadcast %jit3A_213 : f32 to vector<16xf32>
      %select_n3A_215 = arith.select %gt3A_204, %broadcast_in_dim3A_214, %select_n3A_212 : vector<16xi1>, vector<16xf32>
      %jit3A_216 = arith.constant 0.000000e+00 : f32
      %broadcast_in_dim3A_217 = vector.broadcast %jit3A_216 : f32 to vector<16xf32>
      %select_n3A_218 = arith.select %gt3A_201, %broadcast_in_dim3A_217, %select_n3A_215 : vector<16xi1>, vector<16xf32>
      %mul3A_219 = arith.mulf %sub3A_197, %sub3A_197 : vector<16xf32>
      %mul3A_220 = arith.mulf %select_n3A_218, %mul3A_219 : vector<16xf32>
      %add3A_221 = arith.addf %scan3A_85, %mul3A_220 : vector<16xf32>
      scf.yield %add3A_116, %add3A_151, %add3A_186, %add3A_221 : vector<16xf32>, vector<16xf32>, vector<16xf32>, vector<16xf32>
    }
    %scan3A_30 = arith.constant 256 : i32
    %add3A_31 = arith.constant 32768 : i32
    %add3A_32 = arith.addi %add3A_4, %add3A_31 : i32
    %dma_start3A_33 = tpu.memref_slice %arg2[%add3A_32] : memref<8388608xf32, #tpu.memory_space<hbm>> -> memref<16384xf32, #tpu.memory_space<hbm>>
    %dma_start3A_34 = tpu.memref_slice %arg2[%add3A_32] : memref<8388608xf32, #tpu.memory_space<hbm>> -> memref<16384xf32, #tpu.memory_space<hbm>>
    tpu.enqueue_dma source(%dma_start3A_34 : memref<16384xf32, #tpu.memory_space<hbm>>) target(%arg5 : memref<16384xf32, #tpu.memory_space<vmem>>) target_semaphore(%arg10 : memref<!tpu.dma_semaphore, #tpu.memory_space<semaphore_mem>>)
    %dma_start3A_35 = tpu.memref_slice %arg3[%add3A_32] : memref<8388608xf32, #tpu.memory_space<hbm>> -> memref<16384xf32, #tpu.memory_space<hbm>>
    %dma_start3A_36 = tpu.memref_slice %arg3[%add3A_32] : memref<8388608xf32, #tpu.memory_space<hbm>> -> memref<16384xf32, #tpu.memory_space<hbm>>
    tpu.enqueue_dma source(%dma_start3A_36 : memref<16384xf32, #tpu.memory_space<hbm>>) target(%arg6 : memref<16384xf32, #tpu.memory_space<vmem>>) target_semaphore(%arg10 : memref<!tpu.dma_semaphore, #tpu.memory_space<semaphore_mem>>)
    %dma_wait3A_37 = tpu.memref_slice %arg2[%add3A_18] : memref<8388608xf32, #tpu.memory_space<hbm>> -> memref<16384xf32, #tpu.memory_space<hbm>>
    %dma_wait3A_38 = tpu.memref_slice %arg2[%add3A_18] : memref<8388608xf32, #tpu.memory_space<hbm>> -> memref<16384xf32, #tpu.memory_space<hbm>>
    tpu.wait_dma2 semaphore(%arg11 : memref<!tpu.dma_semaphore, #tpu.memory_space<semaphore_mem>>) src(%dma_wait3A_38 : memref<16384xf32, #tpu.memory_space<hbm>>) dst(%arg7 : memref<16384xf32, #tpu.memory_space<vmem>>)
    %dma_wait3A_39 = tpu.memref_slice %arg3[%add3A_18] : memref<8388608xf32, #tpu.memory_space<hbm>> -> memref<16384xf32, #tpu.memory_space<hbm>>
    %dma_wait3A_40 = tpu.memref_slice %arg3[%add3A_18] : memref<8388608xf32, #tpu.memory_space<hbm>> -> memref<16384xf32, #tpu.memory_space<hbm>>
    tpu.wait_dma2 semaphore(%arg11 : memref<!tpu.dma_semaphore, #tpu.memory_space<semaphore_mem>>) src(%dma_wait3A_40 : memref<16384xf32, #tpu.memory_space<hbm>>) dst(%arg8 : memref<16384xf32, #tpu.memory_space<vmem>>)
    %scan3A_41 = arith.constant 0 : i32
    %scan3A_42 = arith.constant 256 : i32
    %scan3A_43 = arith.addi %scan3A_41, %scan3A_42 : i32
    %scan3A_44 = arith.constant 1 : i32
    %scan3A_45:4 = scf.for %scan3A_81 = %scan3A_41 to %scan3A_43 step %scan3A_44 iter_args(%scan3A_82 = %scan3A_29#0, %scan3A_83 = %scan3A_29#1, %scan3A_84 = %scan3A_29#2, %scan3A_85 = %scan3A_29#3) -> (vector<16xf32>, vector<16xf32>, vector<16xf32>, vector<16xf32>)  : i32 {
      %mul3A_86 = arith.constant 64 : i32
      %mul3A_87 = arith.muli %scan3A_81, %mul3A_86 : i32
      %add3A_88 = arith.constant 0 : i32
      %add3A_89 = arith.addi %mul3A_87, %add3A_88 : i32
      %get3A = arith.index_cast %add3A_89 : i32 to index
      %get3A_90 = tpu.vector_load %arg7[%get3A] {strides = array<i32>} : memref<16384xf32, #tpu.memory_space<vmem>>, vector<16xf32>,
      %get3A_91 = vector.shape_cast %get3A_90 : vector<16xf32> to vector<16xf32>
      %add3A_92 = arith.constant 0 : i32
      %add3A_93 = arith.addi %mul3A_87, %add3A_92 : i32
      %get3A_94 = arith.index_cast %add3A_93 : i32 to index
      %get3A_95 = tpu.vector_load %arg8[%get3A_94] {strides = array<i32>} : memref<16384xf32, #tpu.memory_space<vmem>>, vector<16xf32>,
      %get3A_96 = vector.shape_cast %get3A_95 : vector<16xf32> to vector<16xf32>
      %sub3A = arith.subf %get3A_91, %get3A_96 : vector<16xf32>
      %abs3A = math.absf %get3A_96 : vector<16xf32>
      %gt3A = arith.constant 1.000000e+01 : f32
      %gt3A_97 = vector.broadcast %gt3A : f32 to vector<16xf32>
      %gt3A_98 = arith.cmpf ogt, %abs3A, %gt3A_97 : vector<16xf32>
      %gt3A_99 = arith.constant 1.000000e+00 : f32
      %gt3A_100 = vector.broadcast %gt3A_99 : f32 to vector<16xf32>
      %gt3A_101 = arith.cmpf ogt, %abs3A, %gt3A_100 : vector<16xf32>
      %gt3A_102 = arith.constant 5.000000e-01 : f32
      %gt3A_103 = vector.broadcast %gt3A_102 : f32 to vector<16xf32>
      %gt3A_104 = arith.cmpf ogt, %abs3A, %gt3A_103 : vector<16xf32>
      %jit3A = arith.constant 2.000000e+00 : f32
      %jit3A_105 = arith.constant 5.000000e+00 : f32
      %broadcast_in_dim3A_106 = vector.broadcast %jit3A : f32 to vector<16xf32>
      %broadcast_in_dim3A_107 = vector.broadcast %jit3A_105 : f32 to vector<16xf32>
      %select_n3A = arith.select %gt3A_104, %broadcast_in_dim3A_106, %broadcast_in_dim3A_107 : vector<16xi1>, vector<16xf32>
      %jit3A_108 = arith.constant 1.000000e+00 : f32
      %broadcast_in_dim3A_109 = vector.broadcast %jit3A_108 : f32 to vector<16xf32>
      %select_n3A_110 = arith.select %gt3A_101, %broadcast_in_dim3A_109, %select_n3A : vector<16xi1>, vector<16xf32>
      %jit3A_111 = arith.constant 0.000000e+00 : f32
      %broadcast_in_dim3A_112 = vector.broadcast %jit3A_111 : f32 to vector<16xf32>
      %select_n3A_113 = arith.select %gt3A_98, %broadcast_in_dim3A_112, %select_n3A_110 : vector<16xi1>, vector<16xf32>
      %mul3A_114 = arith.mulf %sub3A, %sub3A : vector<16xf32>
      %mul3A_115 = arith.mulf %select_n3A_113, %mul3A_114 : vector<16xf32>
      %add3A_116 = arith.addf %scan3A_82, %mul3A_115 : vector<16xf32>
      %add3A_117 = arith.constant 16 : i32
      %add3A_118 = arith.addi %mul3A_87, %add3A_117 : i32
      %get3A_119 = arith.index_cast %add3A_118 : i32 to index
      %get3A_120 = tpu.vector_load %arg7[%get3A_119] {strides = array<i32>} : memref<16384xf32, #tpu.memory_space<vmem>>, vector<16xf32>,
      %get3A_121 = vector.shape_cast %get3A_120 : vector<16xf32> to vector<16xf32>
      %add3A_122 = arith.constant 16 : i32
      %add3A_123 = arith.addi %mul3A_87, %add3A_122 : i32
      %get3A_124 = arith.index_cast %add3A_123 : i32 to index
      %get3A_125 = tpu.vector_load %arg8[%get3A_124] {strides = array<i32>} : memref<16384xf32, #tpu.memory_space<vmem>>, vector<16xf32>,
      %get3A_126 = vector.shape_cast %get3A_125 : vector<16xf32> to vector<16xf32>
      %sub3A_127 = arith.subf %get3A_121, %get3A_126 : vector<16xf32>
      %abs3A_128 = math.absf %get3A_126 : vector<16xf32>
      %gt3A_129 = arith.constant 1.000000e+01 : f32
      %gt3A_130 = vector.broadcast %gt3A_129 : f32 to vector<16xf32>
      %gt3A_131 = arith.cmpf ogt, %abs3A_128, %gt3A_130 : vector<16xf32>
      %gt3A_132 = arith.constant 1.000000e+00 : f32
      %gt3A_133 = vector.broadcast %gt3A_132 : f32 to vector<16xf32>
      %gt3A_134 = arith.cmpf ogt, %abs3A_128, %gt3A_133 : vector<16xf32>
      %gt3A_135 = arith.constant 5.000000e-01 : f32
      %gt3A_136 = vector.broadcast %gt3A_135 : f32 to vector<16xf32>
      %gt3A_137 = arith.cmpf ogt, %abs3A_128, %gt3A_136 : vector<16xf32>
      %jit3A_138 = arith.constant 2.000000e+00 : f32
      %jit3A_139 = arith.constant 5.000000e+00 : f32
      %broadcast_in_dim3A_140 = vector.broadcast %jit3A_138 : f32 to vector<16xf32>
      %broadcast_in_dim3A_141 = vector.broadcast %jit3A_139 : f32 to vector<16xf32>
      %select_n3A_142 = arith.select %gt3A_137, %broadcast_in_dim3A_140, %broadcast_in_dim3A_141 : vector<16xi1>, vector<16xf32>
      %jit3A_143 = arith.constant 1.000000e+00 : f32
      %broadcast_in_dim3A_144 = vector.broadcast %jit3A_143 : f32 to vector<16xf32>
      %select_n3A_145 = arith.select %gt3A_134, %broadcast_in_dim3A_144, %select_n3A_142 : vector<16xi1>, vector<16xf32>
      %jit3A_146 = arith.constant 0.000000e+00 : f32
      %broadcast_in_dim3A_147 = vector.broadcast %jit3A_146 : f32 to vector<16xf32>
      %select_n3A_148 = arith.select %gt3A_131, %broadcast_in_dim3A_147, %select_n3A_145 : vector<16xi1>, vector<16xf32>
      %mul3A_149 = arith.mulf %sub3A_127, %sub3A_127 : vector<16xf32>
      %mul3A_150 = arith.mulf %select_n3A_148, %mul3A_149 : vector<16xf32>
      %add3A_151 = arith.addf %scan3A_83, %mul3A_150 : vector<16xf32>
      %add3A_152 = arith.constant 32 : i32
      %add3A_153 = arith.addi %mul3A_87, %add3A_152 : i32
      %get3A_154 = arith.index_cast %add3A_153 : i32 to index
      %get3A_155 = tpu.vector_load %arg7[%get3A_154] {strides = array<i32>} : memref<16384xf32, #tpu.memory_space<vmem>>, vector<16xf32>,
      %get3A_156 = vector.shape_cast %get3A_155 : vector<16xf32> to vector<16xf32>
      %add3A_157 = arith.constant 32 : i32
      %add3A_158 = arith.addi %mul3A_87, %add3A_157 : i32
      %get3A_159 = arith.index_cast %add3A_158 : i32 to index
      %get3A_160 = tpu.vector_load %arg8[%get3A_159] {strides = array<i32>} : memref<16384xf32, #tpu.memory_space<vmem>>, vector<16xf32>,
      %get3A_161 = vector.shape_cast %get3A_160 : vector<16xf32> to vector<16xf32>
      %sub3A_162 = arith.subf %get3A_156, %get3A_161 : vector<16xf32>
      %abs3A_163 = math.absf %get3A_161 : vector<16xf32>
      %gt3A_164 = arith.constant 1.000000e+01 : f32
      %gt3A_165 = vector.broadcast %gt3A_164 : f32 to vector<16xf32>
      %gt3A_166 = arith.cmpf ogt, %abs3A_163, %gt3A_165 : vector<16xf32>
      %gt3A_167 = arith.constant 1.000000e+00 : f32
      %gt3A_168 = vector.broadcast %gt3A_167 : f32 to vector<16xf32>
      %gt3A_169 = arith.cmpf ogt, %abs3A_163, %gt3A_168 : vector<16xf32>
      %gt3A_170 = arith.constant 5.000000e-01 : f32
      %gt3A_171 = vector.broadcast %gt3A_170 : f32 to vector<16xf32>
      %gt3A_172 = arith.cmpf ogt, %abs3A_163, %gt3A_171 : vector<16xf32>
      %jit3A_173 = arith.constant 2.000000e+00 : f32
      %jit3A_174 = arith.constant 5.000000e+00 : f32
      %broadcast_in_dim3A_175 = vector.broadcast %jit3A_173 : f32 to vector<16xf32>
      %broadcast_in_dim3A_176 = vector.broadcast %jit3A_174 : f32 to vector<16xf32>
      %select_n3A_177 = arith.select %gt3A_172, %broadcast_in_dim3A_175, %broadcast_in_dim3A_176 : vector<16xi1>, vector<16xf32>
      %jit3A_178 = arith.constant 1.000000e+00 : f32
      %broadcast_in_dim3A_179 = vector.broadcast %jit3A_178 : f32 to vector<16xf32>
      %select_n3A_180 = arith.select %gt3A_169, %broadcast_in_dim3A_179, %select_n3A_177 : vector<16xi1>, vector<16xf32>
      %jit3A_181 = arith.constant 0.000000e+00 : f32
      %broadcast_in_dim3A_182 = vector.broadcast %jit3A_181 : f32 to vector<16xf32>
      %select_n3A_183 = arith.select %gt3A_166, %broadcast_in_dim3A_182, %select_n3A_180 : vector<16xi1>, vector<16xf32>
      %mul3A_184 = arith.mulf %sub3A_162, %sub3A_162 : vector<16xf32>
      %mul3A_185 = arith.mulf %select_n3A_183, %mul3A_184 : vector<16xf32>
      %add3A_186 = arith.addf %scan3A_84, %mul3A_185 : vector<16xf32>
      %add3A_187 = arith.constant 48 : i32
      %add3A_188 = arith.addi %mul3A_87, %add3A_187 : i32
      %get3A_189 = arith.index_cast %add3A_188 : i32 to index
      %get3A_190 = tpu.vector_load %arg7[%get3A_189] {strides = array<i32>} : memref<16384xf32, #tpu.memory_space<vmem>>, vector<16xf32>,
      %get3A_191 = vector.shape_cast %get3A_190 : vector<16xf32> to vector<16xf32>
      %add3A_192 = arith.constant 48 : i32
      %add3A_193 = arith.addi %mul3A_87, %add3A_192 : i32
      %get3A_194 = arith.index_cast %add3A_193 : i32 to index
      %get3A_195 = tpu.vector_load %arg8[%get3A_194] {strides = array<i32>} : memref<16384xf32, #tpu.memory_space<vmem>>, vector<16xf32>,
      %get3A_196 = vector.shape_cast %get3A_195 : vector<16xf32> to vector<16xf32>
      %sub3A_197 = arith.subf %get3A_191, %get3A_196 : vector<16xf32>
      %abs3A_198 = math.absf %get3A_196 : vector<16xf32>
      %gt3A_199 = arith.constant 1.000000e+01 : f32
      %gt3A_200 = vector.broadcast %gt3A_199 : f32 to vector<16xf32>
      %gt3A_201 = arith.cmpf ogt, %abs3A_198, %gt3A_200 : vector<16xf32>
      %gt3A_202 = arith.constant 1.000000e+00 : f32
      %gt3A_203 = vector.broadcast %gt3A_202 : f32 to vector<16xf32>
      %gt3A_204 = arith.cmpf ogt, %abs3A_198, %gt3A_203 : vector<16xf32>
      %gt3A_205 = arith.constant 5.000000e-01 : f32
      %gt3A_206 = vector.broadcast %gt3A_205 : f32 to vector<16xf32>
      %gt3A_207 = arith.cmpf ogt, %abs3A_198, %gt3A_206 : vector<16xf32>
      %jit3A_208 = arith.constant 2.000000e+00 : f32
      %jit3A_209 = arith.constant 5.000000e+00 : f32
      %broadcast_in_dim3A_210 = vector.broadcast %jit3A_208 : f32 to vector<16xf32>
      %broadcast_in_dim3A_211 = vector.broadcast %jit3A_209 : f32 to vector<16xf32>
      %select_n3A_212 = arith.select %gt3A_207, %broadcast_in_dim3A_210, %broadcast_in_dim3A_211 : vector<16xi1>, vector<16xf32>
      %jit3A_213 = arith.constant 1.000000e+00 : f32
      %broadcast_in_dim3A_214 = vector.broadcast %jit3A_213 : f32 to vector<16xf32>
      %select_n3A_215 = arith.select %gt3A_204, %broadcast_in_dim3A_214, %select_n3A_212 : vector<16xi1>, vector<16xf32>
      %jit3A_216 = arith.constant 0.000000e+00 : f32
      %broadcast_in_dim3A_217 = vector.broadcast %jit3A_216 : f32 to vector<16xf32>
      %select_n3A_218 = arith.select %gt3A_201, %broadcast_in_dim3A_217, %select_n3A_215 : vector<16xi1>, vector<16xf32>
      %mul3A_219 = arith.mulf %sub3A_197, %sub3A_197 : vector<16xf32>
      %mul3A_220 = arith.mulf %select_n3A_218, %mul3A_219 : vector<16xf32>
      %add3A_221 = arith.addf %scan3A_85, %mul3A_220 : vector<16xf32>
      scf.yield %add3A_116, %add3A_151, %add3A_186, %add3A_221 : vector<16xf32>, vector<16xf32>, vector<16xf32>, vector<16xf32>
    }
    %scan3A_46 = arith.constant 256 : i32
    %add3A_47 = arith.constant 49152 : i32
    %add3A_48 = arith.addi %add3A_4, %add3A_47 : i32
    %dma_start3A_49 = tpu.memref_slice %arg2[%add3A_48] : memref<8388608xf32, #tpu.memory_space<hbm>> -> memref<16384xf32, #tpu.memory_space<hbm>>
    %dma_start3A_50 = tpu.memref_slice %arg2[%add3A_48] : memref<8388608xf32, #tpu.memory_space<hbm>> -> memref<16384xf32, #tpu.memory_space<hbm>>
    tpu.enqueue_dma source(%dma_start3A_50 : memref<16384xf32, #tpu.memory_space<hbm>>) target(%arg7 : memref<16384xf32, #tpu.memory_space<vmem>>) target_semaphore(%arg11 : memref<!tpu.dma_semaphore, #tpu.memory_space<semaphore_mem>>)
    %dma_start3A_51 = tpu.memref_slice %arg3[%add3A_48] : memref<8388608xf32, #tpu.memory_space<hbm>> -> memref<16384xf32, #tpu.memory_space<hbm>>
    %dma_start3A_52 = tpu.memref_slice %arg3[%add3A_48] : memref<8388608xf32, #tpu.memory_space<hbm>> -> memref<16384xf32, #tpu.memory_space<hbm>>
    tpu.enqueue_dma source(%dma_start3A_52 : memref<16384xf32, #tpu.memory_space<hbm>>) target(%arg8 : memref<16384xf32, #tpu.memory_space<vmem>>) target_semaphore(%arg11 : memref<!tpu.dma_semaphore, #tpu.memory_space<semaphore_mem>>)
    %dma_wait3A_53 = tpu.memref_slice %arg2[%add3A_32] : memref<8388608xf32, #tpu.memory_space<hbm>> -> memref<16384xf32, #tpu.memory_space<hbm>>
    %dma_wait3A_54 = tpu.memref_slice %arg2[%add3A_32] : memref<8388608xf32, #tpu.memory_space<hbm>> -> memref<16384xf32, #tpu.memory_space<hbm>>
    tpu.wait_dma2 semaphore(%arg10 : memref<!tpu.dma_semaphore, #tpu.memory_space<semaphore_mem>>) src(%dma_wait3A_54 : memref<16384xf32, #tpu.memory_space<hbm>>) dst(%arg5 : memref<16384xf32, #tpu.memory_space<vmem>>)
    %dma_wait3A_55 = tpu.memref_slice %arg3[%add3A_32] : memref<8388608xf32, #tpu.memory_space<hbm>> -> memref<16384xf32, #tpu.memory_space<hbm>>
    %dma_wait3A_56 = tpu.memref_slice %arg3[%add3A_32] : memref<8388608xf32, #tpu.memory_space<hbm>> -> memref<16384xf32, #tpu.memory_space<hbm>>
    tpu.wait_dma2 semaphore(%arg10 : memref<!tpu.dma_semaphore, #tpu.memory_space<semaphore_mem>>) src(%dma_wait3A_56 : memref<16384xf32, #tpu.memory_space<hbm>>) dst(%arg6 : memref<16384xf32, #tpu.memory_space<vmem>>)
    %scan3A_57 = arith.constant 0 : i32
    %scan3A_58 = arith.constant 256 : i32
    %scan3A_59 = arith.addi %scan3A_57, %scan3A_58 : i32
    %scan3A_60 = arith.constant 1 : i32
    %scan3A_61:4 = scf.for %scan3A_81 = %scan3A_57 to %scan3A_59 step %scan3A_60 iter_args(%scan3A_82 = %scan3A_45#0, %scan3A_83 = %scan3A_45#1, %scan3A_84 = %scan3A_45#2, %scan3A_85 = %scan3A_45#3) -> (vector<16xf32>, vector<16xf32>, vector<16xf32>, vector<16xf32>)  : i32 {
      %mul3A_86 = arith.constant 64 : i32
      %mul3A_87 = arith.muli %scan3A_81, %mul3A_86 : i32
      %add3A_88 = arith.constant 0 : i32
      %add3A_89 = arith.addi %mul3A_87, %add3A_88 : i32
      %get3A = arith.index_cast %add3A_89 : i32 to index
      %get3A_90 = tpu.vector_load %arg5[%get3A] {strides = array<i32>} : memref<16384xf32, #tpu.memory_space<vmem>>, vector<16xf32>,
      %get3A_91 = vector.shape_cast %get3A_90 : vector<16xf32> to vector<16xf32>
      %add3A_92 = arith.constant 0 : i32
      %add3A_93 = arith.addi %mul3A_87, %add3A_92 : i32
      %get3A_94 = arith.index_cast %add3A_93 : i32 to index
      %get3A_95 = tpu.vector_load %arg6[%get3A_94] {strides = array<i32>} : memref<16384xf32, #tpu.memory_space<vmem>>, vector<16xf32>,
      %get3A_96 = vector.shape_cast %get3A_95 : vector<16xf32> to vector<16xf32>
      %sub3A = arith.subf %get3A_91, %get3A_96 : vector<16xf32>
      %abs3A = math.absf %get3A_96 : vector<16xf32>
      %gt3A = arith.constant 1.000000e+01 : f32
      %gt3A_97 = vector.broadcast %gt3A : f32 to vector<16xf32>
      %gt3A_98 = arith.cmpf ogt, %abs3A, %gt3A_97 : vector<16xf32>
      %gt3A_99 = arith.constant 1.000000e+00 : f32
      %gt3A_100 = vector.broadcast %gt3A_99 : f32 to vector<16xf32>
      %gt3A_101 = arith.cmpf ogt, %abs3A, %gt3A_100 : vector<16xf32>
      %gt3A_102 = arith.constant 5.000000e-01 : f32
      %gt3A_103 = vector.broadcast %gt3A_102 : f32 to vector<16xf32>
      %gt3A_104 = arith.cmpf ogt, %abs3A, %gt3A_103 : vector<16xf32>
      %jit3A = arith.constant 2.000000e+00 : f32
      %jit3A_105 = arith.constant 5.000000e+00 : f32
      %broadcast_in_dim3A_106 = vector.broadcast %jit3A : f32 to vector<16xf32>
      %broadcast_in_dim3A_107 = vector.broadcast %jit3A_105 : f32 to vector<16xf32>
      %select_n3A = arith.select %gt3A_104, %broadcast_in_dim3A_106, %broadcast_in_dim3A_107 : vector<16xi1>, vector<16xf32>
      %jit3A_108 = arith.constant 1.000000e+00 : f32
      %broadcast_in_dim3A_109 = vector.broadcast %jit3A_108 : f32 to vector<16xf32>
      %select_n3A_110 = arith.select %gt3A_101, %broadcast_in_dim3A_109, %select_n3A : vector<16xi1>, vector<16xf32>
      %jit3A_111 = arith.constant 0.000000e+00 : f32
      %broadcast_in_dim3A_112 = vector.broadcast %jit3A_111 : f32 to vector<16xf32>
      %select_n3A_113 = arith.select %gt3A_98, %broadcast_in_dim3A_112, %select_n3A_110 : vector<16xi1>, vector<16xf32>
      %mul3A_114 = arith.mulf %sub3A, %sub3A : vector<16xf32>
      %mul3A_115 = arith.mulf %select_n3A_113, %mul3A_114 : vector<16xf32>
      %add3A_116 = arith.addf %scan3A_82, %mul3A_115 : vector<16xf32>
      %add3A_117 = arith.constant 16 : i32
      %add3A_118 = arith.addi %mul3A_87, %add3A_117 : i32
      %get3A_119 = arith.index_cast %add3A_118 : i32 to index
      %get3A_120 = tpu.vector_load %arg5[%get3A_119] {strides = array<i32>} : memref<16384xf32, #tpu.memory_space<vmem>>, vector<16xf32>,
      %get3A_121 = vector.shape_cast %get3A_120 : vector<16xf32> to vector<16xf32>
      %add3A_122 = arith.constant 16 : i32
      %add3A_123 = arith.addi %mul3A_87, %add3A_122 : i32
      %get3A_124 = arith.index_cast %add3A_123 : i32 to index
      %get3A_125 = tpu.vector_load %arg6[%get3A_124] {strides = array<i32>} : memref<16384xf32, #tpu.memory_space<vmem>>, vector<16xf32>,
      %get3A_126 = vector.shape_cast %get3A_125 : vector<16xf32> to vector<16xf32>
      %sub3A_127 = arith.subf %get3A_121, %get3A_126 : vector<16xf32>
      %abs3A_128 = math.absf %get3A_126 : vector<16xf32>
      %gt3A_129 = arith.constant 1.000000e+01 : f32
      %gt3A_130 = vector.broadcast %gt3A_129 : f32 to vector<16xf32>
      %gt3A_131 = arith.cmpf ogt, %abs3A_128, %gt3A_130 : vector<16xf32>
      %gt3A_132 = arith.constant 1.000000e+00 : f32
      %gt3A_133 = vector.broadcast %gt3A_132 : f32 to vector<16xf32>
      %gt3A_134 = arith.cmpf ogt, %abs3A_128, %gt3A_133 : vector<16xf32>
      %gt3A_135 = arith.constant 5.000000e-01 : f32
      %gt3A_136 = vector.broadcast %gt3A_135 : f32 to vector<16xf32>
      %gt3A_137 = arith.cmpf ogt, %abs3A_128, %gt3A_136 : vector<16xf32>
      %jit3A_138 = arith.constant 2.000000e+00 : f32
      %jit3A_139 = arith.constant 5.000000e+00 : f32
      %broadcast_in_dim3A_140 = vector.broadcast %jit3A_138 : f32 to vector<16xf32>
      %broadcast_in_dim3A_141 = vector.broadcast %jit3A_139 : f32 to vector<16xf32>
      %select_n3A_142 = arith.select %gt3A_137, %broadcast_in_dim3A_140, %broadcast_in_dim3A_141 : vector<16xi1>, vector<16xf32>
      %jit3A_143 = arith.constant 1.000000e+00 : f32
      %broadcast_in_dim3A_144 = vector.broadcast %jit3A_143 : f32 to vector<16xf32>
      %select_n3A_145 = arith.select %gt3A_134, %broadcast_in_dim3A_144, %select_n3A_142 : vector<16xi1>, vector<16xf32>
      %jit3A_146 = arith.constant 0.000000e+00 : f32
      %broadcast_in_dim3A_147 = vector.broadcast %jit3A_146 : f32 to vector<16xf32>
      %select_n3A_148 = arith.select %gt3A_131, %broadcast_in_dim3A_147, %select_n3A_145 : vector<16xi1>, vector<16xf32>
      %mul3A_149 = arith.mulf %sub3A_127, %sub3A_127 : vector<16xf32>
      %mul3A_150 = arith.mulf %select_n3A_148, %mul3A_149 : vector<16xf32>
      %add3A_151 = arith.addf %scan3A_83, %mul3A_150 : vector<16xf32>
      %add3A_152 = arith.constant 32 : i32
      %add3A_153 = arith.addi %mul3A_87, %add3A_152 : i32
      %get3A_154 = arith.index_cast %add3A_153 : i32 to index
      %get3A_155 = tpu.vector_load %arg5[%get3A_154] {strides = array<i32>} : memref<16384xf32, #tpu.memory_space<vmem>>, vector<16xf32>,
      %get3A_156 = vector.shape_cast %get3A_155 : vector<16xf32> to vector<16xf32>
      %add3A_157 = arith.constant 32 : i32
      %add3A_158 = arith.addi %mul3A_87, %add3A_157 : i32
      %get3A_159 = arith.index_cast %add3A_158 : i32 to index
      %get3A_160 = tpu.vector_load %arg6[%get3A_159] {strides = array<i32>} : memref<16384xf32, #tpu.memory_space<vmem>>, vector<16xf32>,
      %get3A_161 = vector.shape_cast %get3A_160 : vector<16xf32> to vector<16xf32>
      %sub3A_162 = arith.subf %get3A_156, %get3A_161 : vector<16xf32>
      %abs3A_163 = math.absf %get3A_161 : vector<16xf32>
      %gt3A_164 = arith.constant 1.000000e+01 : f32
      %gt3A_165 = vector.broadcast %gt3A_164 : f32 to vector<16xf32>
      %gt3A_166 = arith.cmpf ogt, %abs3A_163, %gt3A_165 : vector<16xf32>
      %gt3A_167 = arith.constant 1.000000e+00 : f32
      %gt3A_168 = vector.broadcast %gt3A_167 : f32 to vector<16xf32>
      %gt3A_169 = arith.cmpf ogt, %abs3A_163, %gt3A_168 : vector<16xf32>
      %gt3A_170 = arith.constant 5.000000e-01 : f32
      %gt3A_171 = vector.broadcast %gt3A_170 : f32 to vector<16xf32>
      %gt3A_172 = arith.cmpf ogt, %abs3A_163, %gt3A_171 : vector<16xf32>
      %jit3A_173 = arith.constant 2.000000e+00 : f32
      %jit3A_174 = arith.constant 5.000000e+00 : f32
      %broadcast_in_dim3A_175 = vector.broadcast %jit3A_173 : f32 to vector<16xf32>
      %broadcast_in_dim3A_176 = vector.broadcast %jit3A_174 : f32 to vector<16xf32>
      %select_n3A_177 = arith.select %gt3A_172, %broadcast_in_dim3A_175, %broadcast_in_dim3A_176 : vector<16xi1>, vector<16xf32>
      %jit3A_178 = arith.constant 1.000000e+00 : f32
      %broadcast_in_dim3A_179 = vector.broadcast %jit3A_178 : f32 to vector<16xf32>
      %select_n3A_180 = arith.select %gt3A_169, %broadcast_in_dim3A_179, %select_n3A_177 : vector<16xi1>, vector<16xf32>
      %jit3A_181 = arith.constant 0.000000e+00 : f32
      %broadcast_in_dim3A_182 = vector.broadcast %jit3A_181 : f32 to vector<16xf32>
      %select_n3A_183 = arith.select %gt3A_166, %broadcast_in_dim3A_182, %select_n3A_180 : vector<16xi1>, vector<16xf32>
      %mul3A_184 = arith.mulf %sub3A_162, %sub3A_162 : vector<16xf32>
      %mul3A_185 = arith.mulf %select_n3A_183, %mul3A_184 : vector<16xf32>
      %add3A_186 = arith.addf %scan3A_84, %mul3A_185 : vector<16xf32>
      %add3A_187 = arith.constant 48 : i32
      %add3A_188 = arith.addi %mul3A_87, %add3A_187 : i32
      %get3A_189 = arith.index_cast %add3A_188 : i32 to index
      %get3A_190 = tpu.vector_load %arg5[%get3A_189] {strides = array<i32>} : memref<16384xf32, #tpu.memory_space<vmem>>, vector<16xf32>,
      %get3A_191 = vector.shape_cast %get3A_190 : vector<16xf32> to vector<16xf32>
      %add3A_192 = arith.constant 48 : i32
      %add3A_193 = arith.addi %mul3A_87, %add3A_192 : i32
      %get3A_194 = arith.index_cast %add3A_193 : i32 to index
      %get3A_195 = tpu.vector_load %arg6[%get3A_194] {strides = array<i32>} : memref<16384xf32, #tpu.memory_space<vmem>>, vector<16xf32>,
      %get3A_196 = vector.shape_cast %get3A_195 : vector<16xf32> to vector<16xf32>
      %sub3A_197 = arith.subf %get3A_191, %get3A_196 : vector<16xf32>
      %abs3A_198 = math.absf %get3A_196 : vector<16xf32>
      %gt3A_199 = arith.constant 1.000000e+01 : f32
      %gt3A_200 = vector.broadcast %gt3A_199 : f32 to vector<16xf32>
      %gt3A_201 = arith.cmpf ogt, %abs3A_198, %gt3A_200 : vector<16xf32>
      %gt3A_202 = arith.constant 1.000000e+00 : f32
      %gt3A_203 = vector.broadcast %gt3A_202 : f32 to vector<16xf32>
      %gt3A_204 = arith.cmpf ogt, %abs3A_198, %gt3A_203 : vector<16xf32>
      %gt3A_205 = arith.constant 5.000000e-01 : f32
      %gt3A_206 = vector.broadcast %gt3A_205 : f32 to vector<16xf32>
      %gt3A_207 = arith.cmpf ogt, %abs3A_198, %gt3A_206 : vector<16xf32>
      %jit3A_208 = arith.constant 2.000000e+00 : f32
      %jit3A_209 = arith.constant 5.000000e+00 : f32
      %broadcast_in_dim3A_210 = vector.broadcast %jit3A_208 : f32 to vector<16xf32>
      %broadcast_in_dim3A_211 = vector.broadcast %jit3A_209 : f32 to vector<16xf32>
      %select_n3A_212 = arith.select %gt3A_207, %broadcast_in_dim3A_210, %broadcast_in_dim3A_211 : vector<16xi1>, vector<16xf32>
      %jit3A_213 = arith.constant 1.000000e+00 : f32
      %broadcast_in_dim3A_214 = vector.broadcast %jit3A_213 : f32 to vector<16xf32>
      %select_n3A_215 = arith.select %gt3A_204, %broadcast_in_dim3A_214, %select_n3A_212 : vector<16xi1>, vector<16xf32>
      %jit3A_216 = arith.constant 0.000000e+00 : f32
      %broadcast_in_dim3A_217 = vector.broadcast %jit3A_216 : f32 to vector<16xf32>
      %select_n3A_218 = arith.select %gt3A_201, %broadcast_in_dim3A_217, %select_n3A_215 : vector<16xi1>, vector<16xf32>
      %mul3A_219 = arith.mulf %sub3A_197, %sub3A_197 : vector<16xf32>
      %mul3A_220 = arith.mulf %select_n3A_218, %mul3A_219 : vector<16xf32>
      %add3A_221 = arith.addf %scan3A_85, %mul3A_220 : vector<16xf32>
      scf.yield %add3A_116, %add3A_151, %add3A_186, %add3A_221 : vector<16xf32>, vector<16xf32>, vector<16xf32>, vector<16xf32>
    }
    %scan3A_62 = arith.constant 256 : i32
    %dma_wait3A_63 = tpu.memref_slice %arg2[%add3A_48] : memref<8388608xf32, #tpu.memory_space<hbm>> -> memref<16384xf32, #tpu.memory_space<hbm>>
    %dma_wait3A_64 = tpu.memref_slice %arg2[%add3A_48] : memref<8388608xf32, #tpu.memory_space<hbm>> -> memref<16384xf32, #tpu.memory_space<hbm>>
    tpu.wait_dma2 semaphore(%arg11 : memref<!tpu.dma_semaphore, #tpu.memory_space<semaphore_mem>>) src(%dma_wait3A_64 : memref<16384xf32, #tpu.memory_space<hbm>>) dst(%arg7 : memref<16384xf32, #tpu.memory_space<vmem>>)
    %dma_wait3A_65 = tpu.memref_slice %arg3[%add3A_48] : memref<8388608xf32, #tpu.memory_space<hbm>> -> memref<16384xf32, #tpu.memory_space<hbm>>
    %dma_wait3A_66 = tpu.memref_slice %arg3[%add3A_48] : memref<8388608xf32, #tpu.memory_space<hbm>> -> memref<16384xf32, #tpu.memory_space<hbm>>
    tpu.wait_dma2 semaphore(%arg11 : memref<!tpu.dma_semaphore, #tpu.memory_space<semaphore_mem>>) src(%dma_wait3A_66 : memref<16384xf32, #tpu.memory_space<hbm>>) dst(%arg8 : memref<16384xf32, #tpu.memory_space<vmem>>)
    %scan3A_67 = arith.constant 0 : i32
    %scan3A_68 = arith.constant 256 : i32
    %scan3A_69 = arith.addi %scan3A_67, %scan3A_68 : i32
    %scan3A_70 = arith.constant 1 : i32
    %scan3A_71:4 = scf.for %scan3A_81 = %scan3A_67 to %scan3A_69 step %scan3A_70 iter_args(%scan3A_82 = %scan3A_61#0, %scan3A_83 = %scan3A_61#1, %scan3A_84 = %scan3A_61#2, %scan3A_85 = %scan3A_61#3) -> (vector<16xf32>, vector<16xf32>, vector<16xf32>, vector<16xf32>)  : i32 {
      %mul3A_86 = arith.constant 64 : i32
      %mul3A_87 = arith.muli %scan3A_81, %mul3A_86 : i32
      %add3A_88 = arith.constant 0 : i32
      %add3A_89 = arith.addi %mul3A_87, %add3A_88 : i32
      %get3A = arith.index_cast %add3A_89 : i32 to index
      %get3A_90 = tpu.vector_load %arg7[%get3A] {strides = array<i32>} : memref<16384xf32, #tpu.memory_space<vmem>>, vector<16xf32>,
      %get3A_91 = vector.shape_cast %get3A_90 : vector<16xf32> to vector<16xf32>
      %add3A_92 = arith.constant 0 : i32
      %add3A_93 = arith.addi %mul3A_87, %add3A_92 : i32
      %get3A_94 = arith.index_cast %add3A_93 : i32 to index
      %get3A_95 = tpu.vector_load %arg8[%get3A_94] {strides = array<i32>} : memref<16384xf32, #tpu.memory_space<vmem>>, vector<16xf32>,
      %get3A_96 = vector.shape_cast %get3A_95 : vector<16xf32> to vector<16xf32>
      %sub3A = arith.subf %get3A_91, %get3A_96 : vector<16xf32>
      %abs3A = math.absf %get3A_96 : vector<16xf32>
      %gt3A = arith.constant 1.000000e+01 : f32
      %gt3A_97 = vector.broadcast %gt3A : f32 to vector<16xf32>
      %gt3A_98 = arith.cmpf ogt, %abs3A, %gt3A_97 : vector<16xf32>
      %gt3A_99 = arith.constant 1.000000e+00 : f32
      %gt3A_100 = vector.broadcast %gt3A_99 : f32 to vector<16xf32>
      %gt3A_101 = arith.cmpf ogt, %abs3A, %gt3A_100 : vector<16xf32>
      %gt3A_102 = arith.constant 5.000000e-01 : f32
      %gt3A_103 = vector.broadcast %gt3A_102 : f32 to vector<16xf32>
      %gt3A_104 = arith.cmpf ogt, %abs3A, %gt3A_103 : vector<16xf32>
      %jit3A = arith.constant 2.000000e+00 : f32
      %jit3A_105 = arith.constant 5.000000e+00 : f32
      %broadcast_in_dim3A_106 = vector.broadcast %jit3A : f32 to vector<16xf32>
      %broadcast_in_dim3A_107 = vector.broadcast %jit3A_105 : f32 to vector<16xf32>
      %select_n3A = arith.select %gt3A_104, %broadcast_in_dim3A_106, %broadcast_in_dim3A_107 : vector<16xi1>, vector<16xf32>
      %jit3A_108 = arith.constant 1.000000e+00 : f32
      %broadcast_in_dim3A_109 = vector.broadcast %jit3A_108 : f32 to vector<16xf32>
      %select_n3A_110 = arith.select %gt3A_101, %broadcast_in_dim3A_109, %select_n3A : vector<16xi1>, vector<16xf32>
      %jit3A_111 = arith.constant 0.000000e+00 : f32
      %broadcast_in_dim3A_112 = vector.broadcast %jit3A_111 : f32 to vector<16xf32>
      %select_n3A_113 = arith.select %gt3A_98, %broadcast_in_dim3A_112, %select_n3A_110 : vector<16xi1>, vector<16xf32>
      %mul3A_114 = arith.mulf %sub3A, %sub3A : vector<16xf32>
      %mul3A_115 = arith.mulf %select_n3A_113, %mul3A_114 : vector<16xf32>
      %add3A_116 = arith.addf %scan3A_82, %mul3A_115 : vector<16xf32>
      %add3A_117 = arith.constant 16 : i32
      %add3A_118 = arith.addi %mul3A_87, %add3A_117 : i32
      %get3A_119 = arith.index_cast %add3A_118 : i32 to index
      %get3A_120 = tpu.vector_load %arg7[%get3A_119] {strides = array<i32>} : memref<16384xf32, #tpu.memory_space<vmem>>, vector<16xf32>,
      %get3A_121 = vector.shape_cast %get3A_120 : vector<16xf32> to vector<16xf32>
      %add3A_122 = arith.constant 16 : i32
      %add3A_123 = arith.addi %mul3A_87, %add3A_122 : i32
      %get3A_124 = arith.index_cast %add3A_123 : i32 to index
      %get3A_125 = tpu.vector_load %arg8[%get3A_124] {strides = array<i32>} : memref<16384xf32, #tpu.memory_space<vmem>>, vector<16xf32>,
      %get3A_126 = vector.shape_cast %get3A_125 : vector<16xf32> to vector<16xf32>
      %sub3A_127 = arith.subf %get3A_121, %get3A_126 : vector<16xf32>
      %abs3A_128 = math.absf %get3A_126 : vector<16xf32>
      %gt3A_129 = arith.constant 1.000000e+01 : f32
      %gt3A_130 = vector.broadcast %gt3A_129 : f32 to vector<16xf32>
      %gt3A_131 = arith.cmpf ogt, %abs3A_128, %gt3A_130 : vector<16xf32>
      %gt3A_132 = arith.constant 1.000000e+00 : f32
      %gt3A_133 = vector.broadcast %gt3A_132 : f32 to vector<16xf32>
      %gt3A_134 = arith.cmpf ogt, %abs3A_128, %gt3A_133 : vector<16xf32>
      %gt3A_135 = arith.constant 5.000000e-01 : f32
      %gt3A_136 = vector.broadcast %gt3A_135 : f32 to vector<16xf32>
      %gt3A_137 = arith.cmpf ogt, %abs3A_128, %gt3A_136 : vector<16xf32>
      %jit3A_138 = arith.constant 2.000000e+00 : f32
      %jit3A_139 = arith.constant 5.000000e+00 : f32
      %broadcast_in_dim3A_140 = vector.broadcast %jit3A_138 : f32 to vector<16xf32>
      %broadcast_in_dim3A_141 = vector.broadcast %jit3A_139 : f32 to vector<16xf32>
      %select_n3A_142 = arith.select %gt3A_137, %broadcast_in_dim3A_140, %broadcast_in_dim3A_141 : vector<16xi1>, vector<16xf32>
      %jit3A_143 = arith.constant 1.000000e+00 : f32
      %broadcast_in_dim3A_144 = vector.broadcast %jit3A_143 : f32 to vector<16xf32>
      %select_n3A_145 = arith.select %gt3A_134, %broadcast_in_dim3A_144, %select_n3A_142 : vector<16xi1>, vector<16xf32>
      %jit3A_146 = arith.constant 0.000000e+00 : f32
      %broadcast_in_dim3A_147 = vector.broadcast %jit3A_146 : f32 to vector<16xf32>
      %select_n3A_148 = arith.select %gt3A_131, %broadcast_in_dim3A_147, %select_n3A_145 : vector<16xi1>, vector<16xf32>
      %mul3A_149 = arith.mulf %sub3A_127, %sub3A_127 : vector<16xf32>
      %mul3A_150 = arith.mulf %select_n3A_148, %mul3A_149 : vector<16xf32>
      %add3A_151 = arith.addf %scan3A_83, %mul3A_150 : vector<16xf32>
      %add3A_152 = arith.constant 32 : i32
      %add3A_153 = arith.addi %mul3A_87, %add3A_152 : i32
      %get3A_154 = arith.index_cast %add3A_153 : i32 to index
      %get3A_155 = tpu.vector_load %arg7[%get3A_154] {strides = array<i32>} : memref<16384xf32, #tpu.memory_space<vmem>>, vector<16xf32>,
      %get3A_156 = vector.shape_cast %get3A_155 : vector<16xf32> to vector<16xf32>
      %add3A_157 = arith.constant 32 : i32
      %add3A_158 = arith.addi %mul3A_87, %add3A_157 : i32
      %get3A_159 = arith.index_cast %add3A_158 : i32 to index
      %get3A_160 = tpu.vector_load %arg8[%get3A_159] {strides = array<i32>} : memref<16384xf32, #tpu.memory_space<vmem>>, vector<16xf32>,
      %get3A_161 = vector.shape_cast %get3A_160 : vector<16xf32> to vector<16xf32>
      %sub3A_162 = arith.subf %get3A_156, %get3A_161 : vector<16xf32>
      %abs3A_163 = math.absf %get3A_161 : vector<16xf32>
      %gt3A_164 = arith.constant 1.000000e+01 : f32
      %gt3A_165 = vector.broadcast %gt3A_164 : f32 to vector<16xf32>
      %gt3A_166 = arith.cmpf ogt, %abs3A_163, %gt3A_165 : vector<16xf32>
      %gt3A_167 = arith.constant 1.000000e+00 : f32
      %gt3A_168 = vector.broadcast %gt3A_167 : f32 to vector<16xf32>
      %gt3A_169 = arith.cmpf ogt, %abs3A_163, %gt3A_168 : vector<16xf32>
      %gt3A_170 = arith.constant 5.000000e-01 : f32
      %gt3A_171 = vector.broadcast %gt3A_170 : f32 to vector<16xf32>
      %gt3A_172 = arith.cmpf ogt, %abs3A_163, %gt3A_171 : vector<16xf32>
      %jit3A_173 = arith.constant 2.000000e+00 : f32
      %jit3A_174 = arith.constant 5.000000e+00 : f32
      %broadcast_in_dim3A_175 = vector.broadcast %jit3A_173 : f32 to vector<16xf32>
      %broadcast_in_dim3A_176 = vector.broadcast %jit3A_174 : f32 to vector<16xf32>
      %select_n3A_177 = arith.select %gt3A_172, %broadcast_in_dim3A_175, %broadcast_in_dim3A_176 : vector<16xi1>, vector<16xf32>
      %jit3A_178 = arith.constant 1.000000e+00 : f32
      %broadcast_in_dim3A_179 = vector.broadcast %jit3A_178 : f32 to vector<16xf32>
      %select_n3A_180 = arith.select %gt3A_169, %broadcast_in_dim3A_179, %select_n3A_177 : vector<16xi1>, vector<16xf32>
      %jit3A_181 = arith.constant 0.000000e+00 : f32
      %broadcast_in_dim3A_182 = vector.broadcast %jit3A_181 : f32 to vector<16xf32>
      %select_n3A_183 = arith.select %gt3A_166, %broadcast_in_dim3A_182, %select_n3A_180 : vector<16xi1>, vector<16xf32>
      %mul3A_184 = arith.mulf %sub3A_162, %sub3A_162 : vector<16xf32>
      %mul3A_185 = arith.mulf %select_n3A_183, %mul3A_184 : vector<16xf32>
      %add3A_186 = arith.addf %scan3A_84, %mul3A_185 : vector<16xf32>
      %add3A_187 = arith.constant 48 : i32
      %add3A_188 = arith.addi %mul3A_87, %add3A_187 : i32
      %get3A_189 = arith.index_cast %add3A_188 : i32 to index
      %get3A_190 = tpu.vector_load %arg7[%get3A_189] {strides = array<i32>} : memref<16384xf32, #tpu.memory_space<vmem>>, vector<16xf32>,
      %get3A_191 = vector.shape_cast %get3A_190 : vector<16xf32> to vector<16xf32>
      %add3A_192 = arith.constant 48 : i32
      %add3A_193 = arith.addi %mul3A_87, %add3A_192 : i32
      %get3A_194 = arith.index_cast %add3A_193 : i32 to index
      %get3A_195 = tpu.vector_load %arg8[%get3A_194] {strides = array<i32>} : memref<16384xf32, #tpu.memory_space<vmem>>, vector<16xf32>,
      %get3A_196 = vector.shape_cast %get3A_195 : vector<16xf32> to vector<16xf32>
      %sub3A_197 = arith.subf %get3A_191, %get3A_196 : vector<16xf32>
      %abs3A_198 = math.absf %get3A_196 : vector<16xf32>
      %gt3A_199 = arith.constant 1.000000e+01 : f32
      %gt3A_200 = vector.broadcast %gt3A_199 : f32 to vector<16xf32>
      %gt3A_201 = arith.cmpf ogt, %abs3A_198, %gt3A_200 : vector<16xf32>
      %gt3A_202 = arith.constant 1.000000e+00 : f32
      %gt3A_203 = vector.broadcast %gt3A_202 : f32 to vector<16xf32>
      %gt3A_204 = arith.cmpf ogt, %abs3A_198, %gt3A_203 : vector<16xf32>
      %gt3A_205 = arith.constant 5.000000e-01 : f32
      %gt3A_206 = vector.broadcast %gt3A_205 : f32 to vector<16xf32>
      %gt3A_207 = arith.cmpf ogt, %abs3A_198, %gt3A_206 : vector<16xf32>
      %jit3A_208 = arith.constant 2.000000e+00 : f32
      %jit3A_209 = arith.constant 5.000000e+00 : f32
      %broadcast_in_dim3A_210 = vector.broadcast %jit3A_208 : f32 to vector<16xf32>
      %broadcast_in_dim3A_211 = vector.broadcast %jit3A_209 : f32 to vector<16xf32>
      %select_n3A_212 = arith.select %gt3A_207, %broadcast_in_dim3A_210, %broadcast_in_dim3A_211 : vector<16xi1>, vector<16xf32>
      %jit3A_213 = arith.constant 1.000000e+00 : f32
      %broadcast_in_dim3A_214 = vector.broadcast %jit3A_213 : f32 to vector<16xf32>
      %select_n3A_215 = arith.select %gt3A_204, %broadcast_in_dim3A_214, %select_n3A_212 : vector<16xi1>, vector<16xf32>
      %jit3A_216 = arith.constant 0.000000e+00 : f32
      %broadcast_in_dim3A_217 = vector.broadcast %jit3A_216 : f32 to vector<16xf32>
      %select_n3A_218 = arith.select %gt3A_201, %broadcast_in_dim3A_217, %select_n3A_215 : vector<16xi1>, vector<16xf32>
      %mul3A_219 = arith.mulf %sub3A_197, %sub3A_197 : vector<16xf32>
      %mul3A_220 = arith.mulf %select_n3A_218, %mul3A_219 : vector<16xf32>
      %add3A_221 = arith.addf %scan3A_85, %mul3A_220 : vector<16xf32>
      scf.yield %add3A_116, %add3A_151, %add3A_186, %add3A_221 : vector<16xf32>, vector<16xf32>, vector<16xf32>, vector<16xf32>
    }
    %scan3A_72 = arith.constant 256 : i32
    %add3A_73 = arith.addf %scan3A_71#0, %scan3A_71#1 : vector<16xf32>
    %add3A_74 = arith.addf %scan3A_71#2, %scan3A_71#3 : vector<16xf32>
    %add3A_75 = arith.addf %add3A_73, %add3A_74 : vector<16xf32>
    %swap3A = arith.constant 0 : index
    %swap3A_76 = tpu.vector_load %arg9[%swap3A] {strides = array<i32>} : memref<16xf32, #tpu.memory_space<vmem>>, vector<16xf32>,
    %swap3A_77 = vector.shape_cast %swap3A_76 : vector<16xf32> to vector<16xf32>
    %swap3A_78 = vector.shape_cast %add3A_75 : vector<16xf32> to vector<16xf32>
    tpu.vector_store %arg9[%swap3A], %swap3A_78 {strides = array<i32>} : memref<16xf32, #tpu.memory_space<vmem>>, vector<16xf32>,
    %mul3A_79 = arith.constant 16 : i32
    %mul3A_80 = arith.muli %add3A, %mul3A_79 : i32
    "tpu.region"() ({
      %run_scoped3A = tpu.sem_alloc : memref<!tpu.dma_semaphore, #tpu.memory_space<semaphore_mem>>
      %dma_start3A_81 = tpu.memref_slice %arg4[%mul3A_80] : memref<512xf32, #tpu.memory_space<hbm>> -> memref<16xf32, #tpu.memory_space<hbm>>
      %dma_start3A_82 = tpu.memref_slice %arg4[%mul3A_80] : memref<512xf32, #tpu.memory_space<hbm>> -> memref<16xf32, #tpu.memory_space<hbm>>
      tpu.enqueue_dma source(%arg9 : memref<16xf32, #tpu.memory_space<vmem>>) target(%dma_start3A_82 : memref<16xf32, #tpu.memory_space<hbm>>) target_semaphore(%run_scoped3A : memref<!tpu.dma_semaphore, #tpu.memory_space<semaphore_mem>>)
      %dma_wait3A_83 = tpu.memref_slice %arg4[%mul3A_80] : memref<512xf32, #tpu.memory_space<hbm>> -> memref<16xf32, #tpu.memory_space<hbm>>
      %dma_wait3A_84 = tpu.memref_slice %arg4[%mul3A_80] : memref<512xf32, #tpu.memory_space<hbm>> -> memref<16xf32, #tpu.memory_space<hbm>>
      tpu.wait_dma2 semaphore(%run_scoped3A : memref<!tpu.dma_semaphore, #tpu.memory_space<semaphore_mem>>) src(%arg9 : memref<16xf32, #tpu.memory_space<vmem>>) dst(%dma_wait3A_84 : memref<16xf32, #tpu.memory_space<hbm>>)
      tpu.yield
    }) : () -> ()
    return
  }
}

module attributes {stable_mosaic.version = 14 : i64} {
  func.func @_tc_body(%arg0: i32, %arg1: memref<4096x128xf32, #tpu.memory_space<vmem>>, %arg2: memref<4096x128xf32, #tpu.memory_space<vmem>>, %arg3: memref<1x128xf32, #tpu.memory_space<vmem>>) attributes {dimension_semantics = [#tpu.dimension_semantics<arbitrary>], iteration_bounds = array<i64: 12>, scalar_prefetch = 0 : i64, scratch_operands = 0 : i64, tpu.core_type = #tpu.core_type<tc>, window_params = [{transform_indices = @transform_0, window_bounds = array<i64: 4096, 128>}, {transform_indices = @transform_1, window_bounds = array<i64: 4096, 128>}, {pipeline_mode = #tpu.pipeline_mode<synchronous>, transform_indices = @transform_2, window_bounds = array<i64: 1, 128>}]} {
    %eq3A = arith.constant 0 : i32
    %eq3A_0 = arith.cmpi eq, %arg0, %eq3A : i32
    %convert_element_type3A = arith.extui %eq3A_0 : i1 to i32
    %cond3A = arith.constant 0 : i32
    %cond3A_1 = arith.cmpi ne, %convert_element_type3A, %cond3A : i32
    scf.if %cond3A_1 {
      %broadcast_in_dim3A_31 = arith.constant 0.000000e+00 : f32
      %broadcast_in_dim3A_32 = vector.broadcast %broadcast_in_dim3A_31 : f32 to vector<1x128xf32>
      %swap3A_33 = arith.constant 0 : index
      %swap3A_34 = arith.constant 0 : index
      %swap3A_35 = vector.load %arg3[%swap3A_33, %swap3A_34] : memref<1x128xf32, #tpu.memory_space<vmem>>, vector<1x128xf32>
      tpu.vector_store %arg3[%swap3A_33, %swap3A_34], %broadcast_in_dim3A_32 {strides = array<i32>} : memref<1x128xf32, #tpu.memory_space<vmem>>, vector<1x128xf32>,
    } else {
    }
    %get3A = arith.constant 0 : index
    %get3A_2 = arith.constant 0 : index
    %get3A_3 = vector.load %arg1[%get3A, %get3A_2] : memref<4096x128xf32, #tpu.memory_space<vmem>>, vector<4096x128xf32>
    %get3A_4 = arith.constant 0 : index
    %get3A_5 = arith.constant 0 : index
    %get3A_6 = vector.load %arg2[%get3A_4, %get3A_5] : memref<4096x128xf32, #tpu.memory_space<vmem>>, vector<4096x128xf32>
    %sub3A = arith.subf %get3A_3, %get3A_6 : vector<4096x128xf32>
    %abs3A = math.absf %get3A_6 : vector<4096x128xf32>
    %gt3A = arith.constant 1.000000e+01 : f32
    %gt3A_7 = vector.broadcast %gt3A : f32 to vector<4096x128xf32>
    %gt3A_8 = arith.cmpf ogt, %abs3A, %gt3A_7 : vector<4096x128xf32>
    %gt3A_9 = arith.constant 1.000000e+00 : f32
    %gt3A_10 = vector.broadcast %gt3A_9 : f32 to vector<4096x128xf32>
    %gt3A_11 = arith.cmpf ogt, %abs3A, %gt3A_10 : vector<4096x128xf32>
    %gt3A_12 = arith.constant 5.000000e-01 : f32
    %gt3A_13 = vector.broadcast %gt3A_12 : f32 to vector<4096x128xf32>
    %gt3A_14 = arith.cmpf ogt, %abs3A, %gt3A_13 : vector<4096x128xf32>
    %jit3A = arith.constant 2.000000e+00 : f32
    %jit3A_15 = arith.constant 5.000000e+00 : f32
    %broadcast_in_dim3A = vector.broadcast %jit3A : f32 to vector<4096x128xf32>
    %broadcast_in_dim3A_16 = vector.broadcast %jit3A_15 : f32 to vector<4096x128xf32>
    %select_n3A = arith.select %gt3A_14, %broadcast_in_dim3A, %broadcast_in_dim3A_16 : vector<4096x128xi1>, vector<4096x128xf32>
    %jit3A_17 = arith.constant 1.000000e+00 : f32
    %broadcast_in_dim3A_18 = vector.broadcast %jit3A_17 : f32 to vector<4096x128xf32>
    %select_n3A_19 = arith.select %gt3A_11, %broadcast_in_dim3A_18, %select_n3A : vector<4096x128xi1>, vector<4096x128xf32>
    %jit3A_20 = arith.constant 0.000000e+00 : f32
    %broadcast_in_dim3A_21 = vector.broadcast %jit3A_20 : f32 to vector<4096x128xf32>
    %select_n3A_22 = arith.select %gt3A_8, %broadcast_in_dim3A_21, %select_n3A_19 : vector<4096x128xi1>, vector<4096x128xf32>
    %mul3A = arith.mulf %sub3A, %sub3A : vector<4096x128xf32>
    %mul3A_23 = arith.mulf %select_n3A_22, %mul3A : vector<4096x128xf32>
    %get3A_24 = arith.constant 0 : index
    %get3A_25 = arith.constant 0 : index
    %get3A_26 = vector.load %arg3[%get3A_24, %get3A_25] : memref<1x128xf32, #tpu.memory_space<vmem>>, vector<1x128xf32>
    %reduce_sum3A = arith.constant dense<0.000000e+00> : vector<128xf32>
    %reduce_sum3A_27 = vector.multi_reduction <add>, %mul3A_23, %reduce_sum3A [0] : vector<4096x128xf32> to vector<128xf32>
    %broadcast_in_dim3A_28 = vector.shape_cast %reduce_sum3A_27 : vector<128xf32> to vector<1x128xf32>
    %add3A = arith.addf %get3A_26, %broadcast_in_dim3A_28 : vector<1x128xf32>
    %swap3A = arith.constant 0 : index
    %swap3A_29 = arith.constant 0 : index
    %swap3A_30 = vector.load %arg3[%swap3A, %swap3A_29] : memref<1x128xf32, #tpu.memory_space<vmem>>, vector<1x128xf32>
    tpu.vector_store %arg3[%swap3A, %swap3A_29], %add3A {strides = array<i32>} : memref<1x128xf32, #tpu.memory_space<vmem>>, vector<1x128xf32>,
    return
  }
  func.func @transform_0(%arg0: i32) -> (i32, i32) {
    %c0_i32 = arith.constant 0 : i32
    %c0_i32_0 = arith.constant 0 : i32
    return %arg0, %c0_i32 : i32, i32
  }
  func.func @transform_1(%arg0: i32) -> (i32, i32) {
    %c0_i32 = arith.constant 0 : i32
    %c0_i32_0 = arith.constant 0 : i32
    return %arg0, %c0_i32 : i32, i32
  }
  func.func @transform_2(%arg0: i32) -> (i32, i32) {
    %c0_i32 = arith.constant 0 : i32
    %c0_i32_0 = arith.constant 0 : i32
    %c0_i32_1 = arith.constant 0 : i32
    return %c0_i32, %c0_i32_0 : i32, i32
  }
}

</mosaic_0001>

<sc_bundles>
// kernel: kernel.4.cloned.1.call-start
scs
__scs_entry_jumppad:
0x0: {  	(pc) =	sbr.rel $0x88, $3  }
0x1: {  	(tag) =	ssettag $0x0;
	lr =	simm.s32 $0x1  }
0x2: {  	[smem:$0x3F9F] =	sst lr;
	_ =	strace $0xD0000000  }
0x3: {  	_ = 	snop  }
0x4: {  	_ = 	snop  }
0x5: {  	_ = 	snop  }
0x6: {  	_ = 	snop  }
0x7: {  	_ = 	snop  }
__scs_overlays_trampoline_lowered:
0x8: {  	[smem:$0x3FAE] =	sst s0  }
0x9: {  	[smem:$0x3FAF] =	sst s1  }
0xa: {  	[smem:$0x3FB0] =	sst s2  }
0xb: {  	[smem:$0x3FB1] =	sst s3  }
0xc: {  	[smem:$0x3FB2] =	sst s4  }
0xd: {  	[smem:$0x3FB3] =	sst s5  }
0xe: {  	[smem:$0x3FB4] =	sst s6  }
0xf: {  	[smem:$0x3FB5] =	sst s7  }
0x10: {  	[smem:$0x3FB6] =	sst s8  }
0x11: {  	[smem:$0x3FB7] =	sst s9;
	s0 =	simm.s32 @!p0 $0x0  }
0x12: {  	s1 =	sld [smem:$0x3F9D];
	s0 =	simm.s32 @p0 $0x1  }
0x13: {  	[smem:$0x3FB8] =	sst s0;
	s0 =	simm.s32 @!p1 $0x0  }
0x14: {  	s2 =	sld [smem:$0x3F9C];
	s0 =	simm.s32 @p1 $0x1  }
0x15: {  	[smem:$0x3FB9] =	sst s0;
	s0 =	simm.s32 @!p2 $0x0  }
0x16: {  	s3 =	sld [smem:$0x3FDB];
	s0 =	simm.s32 @p2 $0x1  }
0x17: {  	s4 =	simm.s32 $0x1BF5;
	[smem:$0x3FBB] =	sst s0  }
0x18: {  	s0 =	sld [smem:$0x3F9E];
	_ =	swait.ge [sflag:s4], $0x0  }
0x19: {  	s7 =	sld [smem:$0x3F9F]  }
0x1a: {  	s8 =	sadd.s32 $0xFFFFE003, lr  }
0x1b: {  	s9 =	sadd.s32 $0xFFFFFEF7, lr;
	s5 =	simm.s32 $0xFFFFFFFF;
	p2 =	slt.u32 s8, $0xFFFFF086  }
0x1c: {  	p1 =	slt.u32 s9, $0xF7A;
	s5 =	simm.s32 @!p2 $0x0  }
0x1d: {  	s5 =	simm.s32 @p1 $0x1;
	p0 =	seq.s32 s7, s2  }
0x1e: {  	s7 =	smul.u32 @!p0 $0xF7A, s2;
	p2 =	seq.s32 @!p0 s5, $0x0  }
0x1f: {  	s9 =	smul.u32 $0xF7A, s1;
	s8 =	simm.s32 @!p0 $0x1BF5;
	p2 =	por !p2, p0  }
0x20: {  	[sflag:s8] =	ssyncset.s32 @!p0 $0xFFFFF086;
	s6 =	sadd.s32 @!p0 s3, s7;
	s7 =	simm.s32 @!p0 $0x108  }
0x21: {  	s3 =	sadd.s32 s3, s9;
	s6 =	sadd.s32 @!p0 $0x88, s6;
	s7 =	simm.s32 @p2 $0x1082  }
0x22: {  	[simem:s7], [sflag:s8] =	dma.local @!p0 [hbm:s6], $0xF7A  }
0x23: {  	s9 =	sor.u32 $0xD0000000, s2;
	s6 =	simm.s32 $0x108;
	_ =	swait.ge @!p0 [sflag:s8], $0x0  }
0x24: {  	s3 =	sadd.s32 $0x88, s3;
	s6 =	simm.s32 @!p1 $0x1082;
	[sflag:s4] =	ssyncset.s32 $0xFFFFF086  }
0x25: {  	[simem:s6], [sflag:s4] =	dma.local [hbm:s3], $0xF7A  }
0x26: {  	[smem:$0x3F9F] =	sst s1;
	(tag) =	ssettag s2;
	_ =	strace s9  }
0x27: {  	s1 =	sld [smem:$0x3FAF]  }
0x28: {  	s2 =	sld [smem:$0x3FB0]  }
0x29: {  	s4 =	sld [smem:$0x3FB2]  }
0x2a: {  	p0 =	seq.s32 s5, $0x0;
	s5 =	sld [smem:$0x3FB3]  }
0x2b: {  	s6 =	sld [smem:$0x3FB4]  }
0x2c: {  	s7 =	sld [smem:$0x3FB5]  }
0x2d: {  	s3 =	simm.s32 $0x108;
	s8 =	sld [smem:$0x3FB6]  }
0x2e: {  	s3 =	simm.s32 @!p0 $0x1082;
	s9 =	sld [smem:$0x3FB7]  }
0x2f: {  	lr =	sadd.s32 s0, s3;
	s0 =	sld [smem:$0x3FAE]  }
0x30: {  	s3 =	sld [smem:$0x3FB1]  }
0x31: {  	[smem:$0x3FBA] =	sst s10  }
0x32: {  	s10 =	sld [smem:$0x3FB8];
	_ =	sdelay $0x3  }
0x33: {  	p0 =	seq.s32 s10, $0x1;
	s10 =	sld [smem:$0x3FBA];
	_ =	sdelay $0x3  }
0x34: {  	[smem:$0x3FBA] =	sst s10  }
0x35: {  	s10 =	sld [smem:$0x3FB9];
	_ =	sdelay $0x3  }
0x36: {  	p1 =	seq.s32 s10, $0x1;
	s10 =	sld [smem:$0x3FBA];
	_ =	sdelay $0x3  }
0x37: {  	[smem:$0x3FBA] =	sst s10  }
0x38: {  	s10 =	sld [smem:$0x3FBB]  }
0x39: {  	_ = 	snop;
	(pc) =	sbr.ind lr, $3  }
0x3a: {  	_ = 	snop  }
0x3b: {  	_ = 	snop  }
0x3c: {  	p2 =	seq.s32 s10, $0x1;
	s10 =	sld [smem:$0x3FBA]  }
0x3d: {  	_ =	shalt  }
0x3e: {  	_ =	shalt  }
0x3f: {  	_ =	shalt  }
0x40: {  	_ =	shalt  }
0x41: {  	_ =	shalt  }
0x42: {  	_ =	shalt  }
0x43: {  	_ =	shalt  }
0x44: {  	_ =	shalt  }
0x45: {  	_ =	shalt  }
0x46: {  	_ =	shalt  }
0x47: {  	_ =	shalt  }
0x48: {  	_ =	shalt  }
0x49: {  	_ =	shalt  }
0x4a: {  	_ =	shalt  }
0x4b: {  	_ =	shalt  }
0x4c: {  	_ =	shalt  }
0x4d: {  	_ =	shalt  }
0x4e: {  	_ =	shalt  }
0x4f: {  	_ =	shalt  }
0x50: {  	_ =	shalt  }
0x51: {  	_ =	shalt  }
0x52: {  	_ =	shalt  }
0x53: {  	_ =	shalt  }
0x54: {  	_ =	shalt  }
0x55: {  	_ =	shalt  }
0x56: {  	_ =	shalt  }
0x57: {  	_ =	shalt  }
0x58: {  	_ =	shalt  }
0x59: {  	_ =	shalt  }
0x5a: {  	_ =	shalt  }
0x5b: {  	_ =	shalt  }
0x5c: {  	_ =	shalt  }
0x5d: {  	_ =	shalt  }
0x5e: {  	_ =	shalt  }
0x5f: {  	_ =	shalt  }
0x60: {  	_ =	shalt  }
0x61: {  	_ =	shalt  }
0x62: {  	_ =	shalt  }
0x63: {  	_ =	shalt  }
0x64: {  	_ =	shalt  }
0x65: {  	_ =	shalt  }
0x66: {  	_ =	shalt  }
0x67: {  	_ =	shalt  }
0x68: {  	_ =	shalt  }
0x69: {  	_ =	shalt  }
0x6a: {  	_ =	shalt  }
0x6b: {  	_ =	shalt  }
0x6c: {  	_ =	shalt  }
0x6d: {  	_ =	shalt  }
0x6e: {  	_ =	shalt  }
0x6f: {  	_ =	shalt  }
0x70: {  	_ =	shalt  }
0x71: {  	_ =	shalt  }
0x72: {  	_ =	shalt  }
0x73: {  	_ =	shalt  }
0x74: {  	_ =	shalt  }
0x75: {  	_ =	shalt  }
0x76: {  	_ =	shalt  }
0x77: {  	_ =	shalt  }
0x78: {  	_ =	shalt  }
0x79: {  	_ =	shalt  }
0x7a: {  	_ =	shalt  }
0x7b: {  	_ =	shalt  }
0x7c: {  	_ =	shalt  }
0x7d: {  	_ =	shalt  }
0x7e: {  	_ =	shalt  }
0x7f: {  	_ =	shalt  }
0x80: {  	_ =	shalt  }
0x81: {  	_ =	shalt  }
0x82: {  	_ =	shalt  }
0x83: {  	_ =	shalt  }
0x84: {  	_ =	shalt  }
0x85: {  	_ =	shalt  }
0x86: {  	_ =	shalt  }
0x87: {  	_ =	shalt  }
.Lfunc_end0:
.L_simem_size_0:
called_computation_lowered:
.L_overlay_start_0:
0x88: {  	s2 =	sld [smem:$0x3FD9]  }
0x89: {  	s3 =	sld [smem:$0x3FFE];
	_ =	sdelay $0x1  }
0x8a: {  	s1 =	srdreg.scid  }
0x8b: {  	s0 =	sand.u32 $0x1, s1  }
0x8c: {  	s17 =	sshll.u32 s0, $0xA;
	s2 =	sadd.s32 s3, s2  }
0x8d: {  	s2 =	sadd.s32 s2, s17  }
0x8e: {  	[smem:$0x3FC6] =	sst s2  }
0x8f: {  	_ = 	snop  }
0x90: {  	s2 =	sld [smem:$0x3FC9]  }
0x91: {  	s18 =	sld [smem:$0x3FC8];
	(tm) =	ssettm $0x1  }
0x92: {  	s4 =	sld [smem:$0x3FFB];
	_ =	sdelay $0x3  }
0x93: {  	_ =	strace s4  }
0x94: {  	s4 =	sld [smem:$0x3FFC];
	_ =	sdelay $0x3  }
0x95: {  	_ =	strace s4  }
0x96: {  	s4 =	sld [smem:$0x3FFD];
	_ =	sdelay $0x3  }
0x97: {  	_ =	strace s4  }
0x98: {  	_ =	strace $0x8FFFFFFF  }
0x99: {  	s19 =	sld [smem:$0x3FDB];
	_ =	sdelay $0x1  }
0x9a: {  	s5 =	simm.s32 $_scs_section_size  }
0x9b: {  	s6 =	simm.s32 $_size__tile_overlayer_lowered;
	s7 =	simm.s32 $_tile_overlayer_lowered  }
0x9c: {  	s22 =	simm.s32 $0x1BFF;
	s21 =	sshll.u32 s7, $0x1;
	s4 =	sadd.s32 s5, s19  }
0x9d: {  	s8 =	simm.s32 $0x0;
	s20 =	sshll.u32 s6, $0x1;
	s6 =	sadd.s32 s21, s4  }
0x9e: {  	[timem:s8], [sflag:s22] =	dma.local [hbm:s6], s20  }
0x9f: {  	_ =	swait.ge [sflag:s22], s20  }
0xa0: {  	s5 =	ssub.s32 $0x0, s20;
	[sflag:s22] =	ssyncset.done $0x0  }
0xa1: {  	[sflag:s22] =	ssyncadd.s32 s5;
	_ =	sdelay $0x1  }
0xa2: {  	s23 =	simm.s32 $0x1B8B  }
0xa3: {  	_ =	swait.ge [sflag:s23], $0x1  }
0xa4: {  	[sflag:s23] =	ssyncset.done $0x0  }
0xa5: {  	s25 =	simm.s32 $0x1B8E;
	s24 =	sld [smem:$0x3FFE];
	[sflag:s23] =	ssyncadd.s32 $0xFFFFFFFF  }
0xa6: {  	s26 =	simm.s32 $execute0_lowered;
	[smem:$0x3FD2] =	sst s25  }
0xa7: {  	s6 =	sshll.u32 s26, $0x1;
	_ =	strace $0x80000046;
	[dreg:$0x1] =	wrdreg $0xFFFFFFFF  }
0xa8: {  	s28 =	simm.s32 $_size_execute0_lowered;
	s4 =	sadd.s32 s4, s6;
	[dreg:$0x0] =	wrdreg $0x0  }
0xa9: {  	s6 =	sshll.u32 s28, $0x1;
	[dreg:$0x2] =	wrdreg s4  }
0xaa: {  	[dreg:$0x3] =	wrdreg s6  }
0xab: {  	[dreg:$0x4] =	wrdreg $0xC0  }
0xac: {  	_ =	task [dreg:s8], $0x5FFFF  }
0xad: {  	[dreg:$0x1] =	wrdreg $0xFFFFFFFF  }
0xae: {  	[dreg:$0x0] =	wrdreg $0x60  }
0xaf: {  	[dreg:$0x2] =	wrdreg s2  }
0xb0: {  	[dreg:$0x3] =	wrdreg s18  }
0xb1: {  	[dreg:$0x4] =	wrdreg s24  }
0xb2: {  	[dreg:$0x5] =	wrdreg $0x9  }
0xb3: {  	_ =	task.clear_ibuf [dreg:s8], $0x6FFFF;
	_ =	strace $0x90000046  }
0xb4: {  	s29 =	simm.s32 $0x9;
	_ =	strace $0x80000048  }
0xb5: {  	_ =	swait.ge [sflag:s29], $0x1  }
0xb6: {  	[sflag:s29] =	ssyncadd.s32 $0xFFFFFFFF  }
0xb7: {  	_ =	strace $0x90000048  }
0xb8: {  	_ =	sfence  }
0xb9: {  	s30 =	sld [smem:$0x0];
	_ =	sdelay $0x2  }
0xba: {  	s31 =	sshll.u32 s1, $0xD;
	s1 =	sshrl.u32 s1, $0x2  }
0xbb: {  	s3 =	sand.u32 $0x4000, s31;
	s1 =	sadd.s32 s1, s30  }
0xbc: {  	s0 =	sor.u32 s3, s0;
	s1 =	sshll.u32 s1, $0x11  }
0xbd: {  	s0 =	sor.u32 s1, s0  }
0xbe: {  	s0 =	sadd.s32 $0x8F2B, s0  }
0xbf: {  	[sflag:s0] =	ssyncadd.remote.s32 $0x1  }
0xc0: {  	_ =	sfence.sel $0xFFFF  }
0xc1: {  	[dreg:$0x0] =	wrdreg $0xFFFFFFFF;
	(pc) =	sbr.abs _section_cstart, $3  }
0xc2: {  	[dreg:$0x1] =	wrdreg $0xFFFFFFFF  }
0xc3: {  	_ =	task.clear_ibuf [dreg:s8], $0x2FFFF;
	_ =	strace $0x9FFFFFFF  }
0xc4: {  	(tm) =	ssettm $0x7FFFFFFF  }
0xc5: {  	_ =	shalt  }
tec
execute0_lowered:
.L_overlay_start_1:
0x0: {  	(tag) =	ssettag $0x1  }
0x1: {  	s9 =	rddreg [dreg:$0x0]  }
0x2: {  	s10 =	rddreg [dreg:$0x1];
	s1 =	srdreg.scid  }
0x3: {  	s0 =	stileid.u32;
	s11 =	rddreg [dreg:$0x2];
	s15 =	simm.s32 $0xC000  }
0x4: {  	s16 =	simm.s32 $0x1;
	s17 =	simm.s32 $0x2;
	s18 =	simm.s32 $0x10000  }
0x5: {  	s19 =	simm.s32 $0x3;
	s3 =	sand.u32 $0x1, s1;
	s2 =	sshll.u32 s0, $0x1  }
0x6: {  	s20 =	simm.s32 $0x0;
	s1 =	rddreg [dreg:$0x3];
	s12 =	sor.u32 s3, s2  }
0x7: {  	s2 =	simm.s32 $0x0;
	s3 =	ssub.s32 $0x2, s3;
	s13 =	sshll.u32 s12, $0xD  }
0x8: {  	[smem:$0x7FF] =	sst s2;
	s4 =	sshrl.u32 s3, $0x1;
	s12 =	sshll.u32 s12, $0x1  }
0x9: {  	s5 =	sor.u32 $0xC0000, s13;
	_ =	strace $0x80000047;
	s14 =	ssub.s32 s3, s4  }
0xa: {  	s6 =	sor.u32 $0xC0800, s13;
	s8 =	sor.u32 $0xC1000, s13;
	s13 =	sor.u32 $0xC1800, s13  }
0xb: {  	s11 =	sadd.s32 s11, s12;
	s3 =	sadd.s32 s9, s5;
	s4 =	sadd.s32 s10, s5  }
0xc: {  	s5 =	sadd.s32 s9, s6;
	s6 =	sadd.s32 s10, s6;
	s7 =	sadd.s32 s9, s8  }
0xd: {  	s8 =	sadd.s32 s10, s8;
	s9 =	sadd.s32 s9, s13;
	s10 =	sadd.s32 s10, s13  }
0xe: {  	v0 =	vimm.f32 $5.000000000e+00;
	s12 =	smax.u32 s14, $0x1;
	s13 =	simm.s32 $0x4000;
	s14 =	simm.s32 $0x8000  }
.LBB2_1:
0xf: {  	[tilespmem:s2], [sflag:$0x1] =	stream.linear.gather [hbm4b:s3+s2], $0x4000, $0x38;
	[tilespmem:$0x10080] =	vst v63  }
0x10: {  	_ = 	snop  }
0x11: {  	[tilespmem:s13], [sflag:$0x1] =	stream.linear.gather [hbm4b:s4+s2], $0x4000, $0x38;
	[tilespmem:$0x10080] =	vst v63  }
0x12: {  	_ = 	snop  }
0x13: {  	[tilespmem:s14], [sflag:$0x2] =	stream.linear.gather [hbm4b:s5+s2], $0x4000, $0x38;
	[tilespmem:$0x10080] =	vst v63  }
0x14: {  	_ = 	snop  }
0x15: {  	[tilespmem:s15], [sflag:$0x2] =	stream.linear.gather [hbm4b:s6+s2], $0x4000, $0x38;
	[tilespmem:$0x10080] =	vst v63  }
0x16: {  	_ =	swait.ge [sflag:s16], $0x4000  }
0x17: {  	[sflag:s16] =	ssyncset.done $0x0  }
0x18: {  	[sflag:s16] =	ssyncadd.s32 $0xFFFFC000  }
0x19: {  	_ =	swait.ge [sflag:s16], $0x4000  }
0x1a: {  	[sflag:s16] =	ssyncset.done $0x0  }
0x1b: {  	s21 =	simm.s32 $0x0;
	[sflag:s16] =	ssyncadd.s32 $0xFFFFC000  }
0x1c: {  	v2 =	vld [tilespmem:s21+$0x4030]  }
0x1d: {  	v3 =	vld [tilespmem:s21+$0x30]  }
0x1e: {  	v4 =	vld [tilespmem:s21+$0x4000]  }
0x1f: {  	v6 =	vld [tilespmem:s21+$0x4020]  }
0x20: {  	v7 =	vld [tilespmem:s21+$0x0]  }
0x21: {  	v10 =	vld [tilespmem:s21+$0x20];
	_ =	sdelay $0x1  }
0x22: {  	v5 =	vld [tilespmem:s21+$0x4010]  }
0x23: {  	v1 =	vimm.f32 $0.0e+00;
	v9 =	vld [tilespmem:s21+$0x10];
	v8 =	vand.u32 $0x7FFFFFFF, v2  }
0x24: {  	v2 =	vsub.f32 v3, v2;
	v3 =	vand.u32 $0x7FFFFFFF, v4;
	v12 =	vand.u32 $0x7FFFFFFF, v6  }
0x25: {  	v4 =	vsub.f32 v7, v4;
	v6 =	vsub.f32 v10, v6;
	vm0 =	vgt.f32 v8, $5.000000000e-01  }
0x26: {  	vm1 =	vgt.f32 v8, $1.000000000e+00;
	vm2 =	vgt.f32 v12, $5.000000000e-01;
	v11 =	vsel vm0, $0x40000000, v0  }
0x27: {  	vm0 =	vgt.f32 v8, $1.000000000e+01;
	v2 =	vmul.f32 v2, v2;
	v4 =	vmul.f32 v4, v4  }
0x28: {  	v8 =	vsel vm1, $0x3F800000, v11;
	v11 =	vand.u32 $0x7FFFFFFF, v5;
	v5 =	vsub.f32 v9, v5  }
0x29: {  	v9 =	vsel vm2, $0x40000000, v0;
	v8 =	vsel vm0, $0x0, v8;
	vm0 =	vgt.f32 v3, $5.000000000e-01  }
0x2a: {  	s31 =	simm.s32 $0x40;
	vm1 =	vgt.f32 v11, $5.000000000e-01;
	v2 =	vmul.f32 v8, v2;
	v7 =	vsel vm0, $0x40000000, v0  }
0x2b: {  	v13 =	vld [tilespmem:s31+$0x30];
	vm0 =	vgt.f32 v3, $1.000000000e+00;
	v8 =	vsel vm1, $0x40000000, v0;
	vm1 =	vgt.f32 v12, $1.000000000e+00  }
0x2c: {  	v10 =	vld [tilespmem:s31+$0x4030];
	v7 =	vsel vm0, $0x3F800000, v7;
	vm0 =	vgt.f32 v11, $1.000000000e+00;
	v9 =	vsel vm1, $0x3F800000, v9  }
0x2d: {  	vm1 =	vgt.f32 v12, $1.000000000e+01;
	v8 =	vsel vm0, $0x3F800000, v8;
	vm0 =	vgt.f32 v3, $1.000000000e+01  }
0x2e: {  	v15 =	vld [tilespmem:s31+$0x4020];
	v3 =	vmul.f32 v5, v5;
	v5 =	vmul.f32 v6, v6;
	v2 =	vadd.f32 v2, v1  }
0x2f: {  	v12 =	vld [tilespmem:s31+$0x4010];
	v6 =	vsel vm0, $0x0, v7;
	vm0 =	vgt.f32 v11, $1.000000000e+01;
	v7 =	vsel vm1, $0x0, v9  }
0x30: {  	v14 =	vld [tilespmem:s31+$0x4000];
	v4 =	vmul.f32 v6, v4;
	v6 =	vsel vm0, $0x0, v8;
	v5 =	vmul.f32 v7, v5  }
0x31: {  	v16 =	vld [tilespmem:s31+$0x10];
	v7 =	vand.u32 $0x7FFFFFFF, v10;
	v8 =	vsub.f32 v13, v10;
	v6 =	vmul.f32 v6, v3  }
0x32: {  	v9 =	vld [tilespmem:s31+$0x0];
	vm0 =	vgt.f32 v7, $5.000000000e-01;
	vm1 =	vgt.f32 v7, $1.000000000e+00;
	v3 =	vadd.f32 v4, v1  }
0x33: {  	v10 =	vld [tilespmem:s31+$0x20];
	v11 =	vsel vm0, $0x40000000, v0;
	vm0 =	vgt.f32 v7, $1.000000000e+01;
	v13 =	vmul.f32 v8, v8  }
0x34: {  	v8 =	vand.u32 $0x7FFFFFFF, v12;
	v7 =	vand.u32 $0x7FFFFFFF, v15;
	v4 =	vadd.f32 v6, v1  }
0x35: {  	v6 =	vand.u32 $0x7FFFFFFF, v14;
	v11 =	vsel vm1, $0x3F800000, v11;
	vm1 =	vgt.f32 v8, $5.000000000e-01  }
0x36: {  	vm2 =	vgt.f32 v7, $5.000000000e-01;
	v11 =	vsel vm0, $0x0, v11;
	vm0 =	vgt.f32 v6, $5.000000000e-01  }
0x37: {  	v13 =	vmul.f32 v11, v13;
	v11 =	vsub.f32 v9, v14;
	v9 =	vsub.f32 v16, v12  }
0x38: {  	v12 =	vsel vm0, $0x40000000, v0;
	v10 =	vsub.f32 v10, v15;
	vm0 =	vgt.f32 v6, $1.000000000e+00  }
0x39: {  	v14 =	vsel vm1, $0x40000000, v0;
	vm1 =	vgt.f32 v8, $1.000000000e+00;
	v12 =	vsel vm0, $0x3F800000, v12  }
0x3a: {  	s22 =	simm.s32 $0x80;
	s21 =	simm.s32 $0x300;
	vm0 =	vgt.f32 v7, $1.000000000e+00;
	v2 =	vadd.f32 v13, v2;
	v13 =	vsel vm2, $0x40000000, v0  }
.LBB2_2:
0x3b: {  	p0 =	sne.s32 s21, $0xFF00;
	v15 =	vld [tilespmem:s22+$0x4030];
	v11 =	vmul.f32 v11, v11;
	v14 =	vsel vm1, $0x3F800000, v14;
	v13 =	vsel vm0, $0x3F800000, v13  }
0x3c: {  	vm0 =	vgt.f32 v6, $1.000000000e+01;
	v6 =	vmul.f32 v9, v9;
	v9 =	vmul.f32 v10, v10;
	v16 =	vld [tilespmem:s22+$0x30]  }
0x3d: {  	vm1 =	vgt.f32 v7, $1.000000000e+01;
	v12 =	vsel vm0, $0x0, v12;
	vm0 =	vgt.f32 v8, $1.000000000e+01;
	v10 =	vld [tilespmem:s22+$0x4000]  }
0x3e: {  	v7 =	vmul.f32 v12, v11;
	v8 =	vsel vm0, $0x0, v14;
	v11 =	vsel vm1, $0x0, v13;
	v17 =	vld [tilespmem:s22+$0x4010]  }
0x3f: {  	v1 =	vadd.f32 v5, v1;
	v6 =	vmul.f32 v8, v6;
	v5 =	vmul.f32 v11, v9;
	v12 =	vld [tilespmem:s22+$0x4020]  }
0x40: {  	v3 =	vadd.f32 v7, v3;
	v9 =	vld [tilespmem:s22+$0x0];
	v8 =	vand.u32 $0x7FFFFFFF, v15  }
0x41: {  	v4 =	vadd.f32 v6, v4;
	v13 =	vld [tilespmem:s22+$0x10];
	v7 =	vsub.f32 v16, v15;
	vm0 =	vgt.f32 v8, $5.000000000e-01  }
0x42: {  	vm1 =	vgt.f32 v8, $1.000000000e+00;
	v6 =	vand.u32 $0x7FFFFFFF, v10;
	v14 =	vld [tilespmem:s22+$0x20];
	v11 =	vsel vm0, $0x40000000, v0  }
0x43: {  	vm0 =	vgt.f32 v8, $1.000000000e+01;
	v11 =	vsel vm1, $0x3F800000, v11;
	v15 =	vmul.f32 v7, v7  }
0x44: {  	v8 =	vand.u32 $0x7FFFFFFF, v17;
	v7 =	vand.u32 $0x7FFFFFFF, v12;
	v11 =	vsel vm0, $0x0, v11  }
.Ltmp0:
0x45: {  	vm0 =	vgt.f32 v6, $5.000000000e-01;
	vm1 =	vgt.f32 v8, $5.000000000e-01;
	v15 =	vmul.f32 v11, v15;
	(pc) =	sbr.rel @p0 .LBB2_2-.Ltmp0, $4  }
0x46: {  	v11 =	vsub.f32 v9, v10;
	vm2 =	vgt.f32 v7, $5.000000000e-01;
	v9 =	vsub.f32 v13, v17  }
0x47: {  	v16 =	vsel vm0, $0x40000000, v0;
	v10 =	vsub.f32 v14, v12;
	v2 =	vadd.f32 v15, v2  }
0x48: {  	vm0 =	vgt.f32 v6, $1.000000000e+00;
	v13 =	vsel vm2, $0x40000000, v0;
	v14 =	vsel vm1, $0x40000000, v0  }
0x49: {  	s22 =	sshra.s32 s21, $0x2;
	s21 =	sadd.s32 $0x100, s21;
	v12 =	vsel vm0, $0x3F800000, v16;
	vm1 =	vgt.f32 v8, $1.000000000e+00;
	vm0 =	vgt.f32 v7, $1.000000000e+00  }
0x4a: {  	v15 =	vld [tilespmem:s22+$0x4030]  }
0x4b: {  	v16 =	vld [tilespmem:s22+$0x30];
	v14 =	vsel vm1, $0x3F800000, v14;
	v11 =	vmul.f32 v11, v11  }
0x4c: {  	v17 =	vld [tilespmem:s22+$0x4000];
	v13 =	vsel vm0, $0x3F800000, v13;
	vm0 =	vgt.f32 v6, $1.000000000e+01;
	v9 =	vmul.f32 v9, v9  }
0x4d: {  	v10 =	vmul.f32 v10, v10;
	v12 =	vsel vm0, $0x0, v12;
	vm0 =	vgt.f32 v8, $1.000000000e+01;
	v8 =	vld [tilespmem:s22+$0x4020]  }
0x4e: {  	v6 =	vld [tilespmem:s22+$0x4010];
	vm1 =	vgt.f32 v7, $1.000000000e+01;
	v7 =	vsel vm0, $0x0, v14;
	v11 =	vmul.f32 v12, v11  }
0x4f: {  	v1 =	vadd.f32 v5, v1;
	v12 =	vsel vm1, $0x0, v13;
	v7 =	vmul.f32 v7, v9;
	v9 =	vld [tilespmem:s22+$0x10]  }
0x50: {  	s21 =	simm.s32 $0x0;
	v10 =	vmul.f32 v12, v10;
	v12 =	vld [tilespmem:s22+$0x20];
	v3 =	vadd.f32 v11, v3;
	v5 =	vand.u32 $0x7FFFFFFF, v15  }
0x51: {  	v14 =	vld [tilespmem:s22+$0x0];
	[tilespmem:s21], [sflag:$0x1] =	stream.linear.gather [hbm4b:s7+s21], $0x4000, $0x38;
	v11 =	vsub.f32 v16, v15;
	v4 =	vadd.f32 v7, v4;
	v13 =	vand.u32 $0x7FFFFFFF, v17  }
0x52: {  	vm0 =	vgt.f32 v5, $5.000000000e-01;
	vm1 =	vgt.f32 v5, $1.000000000e+00;
	v15 =	vand.u32 $0x7FFFFFFF, v8  }
0x53: {  	[tilespmem:s13], [sflag:$0x1] =	stream.linear.gather [hbm4b:s8+s21], $0x4000, $0x38;
	v7 =	vsel vm0, $0x40000000, v0;
	vm0 =	vgt.f32 v5, $1.000000000e+01;
	vm2 =	vgt.f32 v15, $5.000000000e-01;
	[tilespmem:$0x10080] =	vst v63  }
0x54: {  	_ =	swait.ge [sflag:s17], $0x4000;
	v5 =	vsel vm1, $0x3F800000, v7;
	v7 =	vmul.f32 v11, v11;
	v11 =	vand.u32 $0x7FFFFFFF, v6  }
0x55: {  	[sflag:s17] =	ssyncset.done $0x0;
	v6 =	vsub.f32 v9, v6;
	v8 =	vsub.f32 v12, v8;
	v5 =	vsel vm0, $0x0, v5  }
0x56: {  	[sflag:s17] =	ssyncadd.s32 $0xFFFFC000;
	vm0 =	vgt.f32 v13, $5.000000000e-01;
	vm1 =	vgt.f32 v11, $5.000000000e-01;
	v5 =	vmul.f32 v5, v7  }
0x57: {  	_ =	swait.ge [sflag:s17], $0x4000;
	v7 =	vsub.f32 v14, v17;
	v9 =	vsel vm0, $0x40000000, v0;
	vm0 =	vgt.f32 v13, $1.000000000e+00  }
0x58: {  	v12 =	vsel vm1, $0x40000000, v0;
	v14 =	vsel vm2, $0x40000000, v0;
	[sflag:s17] =	ssyncset.done $0x0;
	vm1 =	vgt.f32 v15, $1.000000000e+00  }
0x59: {  	s30 =	simm.s32 $0x0;
	v6 =	vmul.f32 v6, v6;
	v8 =	vmul.f32 v8, v8;
	v9 =	vsel vm0, $0x3F800000, v9;
	[sflag:s17] =	ssyncadd.s32 $0xFFFFC000  }
0x5a: {  	vm0 =	vgt.f32 v11, $1.000000000e+00;
	v14 =	vsel vm1, $0x3F800000, v14;
	vm1 =	vgt.f32 v15, $1.000000000e+01;
	v61 =	vld [tilespmem:s30+$0xC030]  }
0x5b: {  	v7 =	vmul.f32 v7, v7;
	v12 =	vsel vm0, $0x3F800000, v12;
	vm0 =	vgt.f32 v13, $1.000000000e+01;
	v13 =	vld [tilespmem:s30+$0x8030]  }
0x5c: {  	v2 =	vadd.f32 v5, v2;
	v5 =	vld [tilespmem:s30+$0xC020];
	v9 =	vsel vm0, $0x0, v9;
	vm0 =	vgt.f32 v11, $1.000000000e+01  }
0x5d: {  	v11 =	vld [tilespmem:s30+$0xC000];
	v7 =	vmul.f32 v9, v7;
	v9 =	vsel vm0, $0x0, v12;
	v12 =	vsel vm1, $0x0, v14  }
0x5e: {  	v1 =	vadd.f32 v10, v1;
	v6 =	vmul.f32 v9, v6;
	v8 =	vmul.f32 v12, v8  }
0x5f: {  	v9 =	vld [tilespmem:s30+$0xC010];
	v3 =	vadd.f32 v7, v3  }
0x60: {  	v4 =	vadd.f32 v6, v4;
	v1 =	vadd.f32 v8, v1;
	v6 =	vld [tilespmem:s30+$0x8000];
	v7 =	vand.u32 $0x7FFFFFFF, v61  }
0x61: {  	v8 =	vld [tilespmem:s30+$0x8010];
	v10 =	vsub.f32 v13, v61;
	v15 =	vand.u32 $0x7FFFFFFF, v5;
	vm0 =	vgt.f32 v7, $5.000000000e-01  }
0x62: {  	v13 =	vld [tilespmem:s30+$0x8020];
	v12 =	vand.u32 $0x7FFFFFFF, v11;
	vm1 =	vgt.f32 v7, $1.000000000e+00;
	v14 =	vsel vm0, $0x40000000, v0  }
0x63: {  	vm0 =	vgt.f32 v7, $1.000000000e+01;
	v10 =	vmul.f32 v10, v10;
	v7 =	vsel vm1, $0x3F800000, v14  }
0x64: {  	vm2 =	vgt.f32 v15, $5.000000000e-01;
	v14 =	vand.u32 $0x7FFFFFFF, v9;
	v7 =	vsel vm0, $0x0, v7  }
0x65: {  	vm0 =	vgt.f32 v12, $5.000000000e-01;
	vm1 =	vgt.f32 v14, $5.000000000e-01;
	v7 =	vmul.f32 v7, v10  }
0x66: {  	v6 =	vsub.f32 v6, v11;
	v8 =	vsub.f32 v8, v9;
	v9 =	vsel vm0, $0x40000000, v0  }
0x67: {  	s31 =	simm.s32 $0x40;
	v5 =	vsub.f32 v13, v5;
	vm0 =	vgt.f32 v12, $1.000000000e+00;
	v10 =	vsel vm1, $0x40000000, v0  }
0x68: {  	v62 =	vld [tilespmem:s31+$0x8030];
	v11 =	vsel vm2, $0x40000000, v0;
	vm1 =	vgt.f32 v15, $1.000000000e+00;
	v9 =	vsel vm0, $0x3F800000, v9  }
0x69: {  	v13 =	vld [tilespmem:s31+$0xC030];
	vm0 =	vgt.f32 v14, $1.000000000e+00;
	v11 =	vsel vm1, $0x3F800000, v11;
	vm1 =	vgt.f32 v15, $1.000000000e+01  }
0x6a: {  	v6 =	vmul.f32 v6, v6;
	v10 =	vsel vm0, $0x3F800000, v10;
	vm0 =	vgt.f32 v12, $1.000000000e+01  }
0x6b: {  	v8 =	vmul.f32 v8, v8;
	v5 =	vmul.f32 v5, v5;
	v12 =	vld [tilespmem:s31+$0xC000];
	v2 =	vadd.f32 v7, v2  }
0x6c: {  	v7 =	vsel vm1, $0x0, v11;
	v9 =	vsel vm0, $0x0, v9;
	vm0 =	vgt.f32 v14, $1.000000000e+01;
	v14 =	vld [tilespmem:s31+$0xC010]  }
0x6d: {  	v6 =	vmul.f32 v9, v6;
	v9 =	vsel vm0, $0x0, v10;
	v10 =	vld [tilespmem:s31+$0xC020];
	v5 =	vmul.f32 v7, v5  }
0x6e: {  	v15 =	vld [tilespmem:s31+$0x8010];
	v8 =	vmul.f32 v9, v8;
	v7 =	vand.u32 $0x7FFFFFFF, v13;
	v11 =	vsub.f32 v62, v13  }
0x6f: {  	v9 =	vld [tilespmem:s31+$0x8000];
	v3 =	vadd.f32 v6, v3;
	vm0 =	vgt.f32 v7, $5.000000000e-01;
	vm1 =	vgt.f32 v7, $1.000000000e+00  }
0x70: {  	v13 =	vld [tilespmem:s31+$0x8020];
	v4 =	vadd.f32 v8, v4;
	v6 =	vand.u32 $0x7FFFFFFF, v12;
	v8 =	vsel vm0, $0x40000000, v0  }
0x71: {  	vm0 =	vgt.f32 v7, $1.000000000e+01;
	v11 =	vmul.f32 v11, v11;
	v63 =	vsel vm1, $0x3F800000, v8  }
0x72: {  	v8 =	vand.u32 $0x7FFFFFFF, v14;
	v7 =	vand.u32 $0x7FFFFFFF, v10;
	v16 =	vsel vm0, $0x0, v63  }
0x73: {  	vm0 =	vgt.f32 v6, $5.000000000e-01;
	vm1 =	vgt.f32 v8, $5.000000000e-01;
	v16 =	vmul.f32 v16, v11  }
0x74: {  	v11 =	vsub.f32 v9, v12;
	v9 =	vsub.f32 v15, v14;
	vm2 =	vgt.f32 v7, $5.000000000e-01  }
0x75: {  	v12 =	vsel vm0, $0x40000000, v0;
	v10 =	vsub.f32 v13, v10;
	vm0 =	vgt.f32 v6, $1.000000000e+00  }
0x76: {  	v14 =	vsel vm1, $0x40000000, v0;
	vm1 =	vgt.f32 v8, $1.000000000e+00;
	v13 =	vsel vm2, $0x40000000, v0  }
0x77: {  	s22 =	simm.s32 $0x80;
	s21 =	simm.s32 $0x300;
	v12 =	vsel vm0, $0x3F800000, v12;
	vm0 =	vgt.f32 v7, $1.000000000e+00;
	v2 =	vadd.f32 v16, v2  }
.LBB2_4:
0x78: {  	p0 =	sne.s32 s21, $0xFF00;
	v15 =	vld [tilespmem:s22+$0xC030];
	v11 =	vmul.f32 v11, v11;
	v14 =	vsel vm1, $0x3F800000, v14;
	v13 =	vsel vm0, $0x3F800000, v13  }
0x79: {  	vm0 =	vgt.f32 v6, $1.000000000e+01;
	v6 =	vmul.f32 v9, v9;
	v9 =	vmul.f32 v10, v10;
	v16 =	vld [tilespmem:s22+$0x8030]  }
0x7a: {  	vm1 =	vgt.f32 v7, $1.000000000e+01;
	v12 =	vsel vm0, $0x0, v12;
	vm0 =	vgt.f32 v8, $1.000000000e+01;
	v10 =	vld [tilespmem:s22+$0xC000]  }
0x7b: {  	v7 =	vmul.f32 v12, v11;
	v8 =	vsel vm0, $0x0, v14;
	v11 =	vsel vm1, $0x0, v13;
	v17 =	vld [tilespmem:s22+$0xC010]  }
0x7c: {  	v1 =	vadd.f32 v5, v1;
	v6 =	vmul.f32 v8, v6;
	v5 =	vmul.f32 v11, v9;
	v12 =	vld [tilespmem:s22+$0xC020]  }
0x7d: {  	v3 =	vadd.f32 v7, v3;
	v9 =	vld [tilespmem:s22+$0x8000];
	v8 =	vand.u32 $0x7FFFFFFF, v15  }
0x7e: {  	v4 =	vadd.f32 v6, v4;
	v13 =	vld [tilespmem:s22+$0x8010];
	v7 =	vsub.f32 v16, v15;
	vm0 =	vgt.f32 v8, $5.000000000e-01  }
0x7f: {  	vm1 =	vgt.f32 v8, $1.000000000e+00;
	v6 =	vand.u32 $0x7FFFFFFF, v10;
	v14 =	vld [tilespmem:s22+$0x8020];
	v11 =	vsel vm0, $0x40000000, v0  }
0x80: {  	vm0 =	vgt.f32 v8, $1.000000000e+01;
	v11 =	vsel vm1, $0x3F800000, v11;
	v15 =	vmul.f32 v7, v7  }
0x81: {  	v8 =	vand.u32 $0x7FFFFFFF, v17;
	v7 =	vand.u32 $0x7FFFFFFF, v12;
	v11 =	vsel vm0, $0x0, v11  }
.Ltmp1:
0x82: {  	vm0 =	vgt.f32 v6, $5.000000000e-01;
	vm1 =	vgt.f32 v8, $5.000000000e-01;
	v15 =	vmul.f32 v11, v15;
	(pc) =	sbr.rel @p0 .LBB2_4-.Ltmp1, $4  }
0x83: {  	v11 =	vsub.f32 v9, v10;
	vm2 =	vgt.f32 v7, $5.000000000e-01;
	v9 =	vsub.f32 v13, v17  }
0x84: {  	v16 =	vsel vm0, $0x40000000, v0;
	v10 =	vsub.f32 v14, v12;
	v2 =	vadd.f32 v15, v2  }
0x85: {  	vm0 =	vgt.f32 v6, $1.000000000e+00;
	v13 =	vsel vm2, $0x40000000, v0;
	v14 =	vsel vm1, $0x40000000, v0  }
0x86: {  	s22 =	sshra.s32 s21, $0x2;
	s21 =	sadd.s32 $0x100, s21;
	v12 =	vsel vm0, $0x3F800000, v16;
	vm1 =	vgt.f32 v8, $1.000000000e+00;
	vm0 =	vgt.f32 v7, $1.000000000e+00  }
0x87: {  	v15 =	vld [tilespmem:s22+$0xC030]  }
0x88: {  	v16 =	vld [tilespmem:s22+$0x8030];
	v14 =	vsel vm1, $0x3F800000, v14;
	v11 =	vmul.f32 v11, v11  }
0x89: {  	v17 =	vld [tilespmem:s22+$0xC000];
	v13 =	vsel vm0, $0x3F800000, v13;
	vm0 =	vgt.f32 v6, $1.000000000e+01;
	v9 =	vmul.f32 v9, v9  }
0x8a: {  	v10 =	vmul.f32 v10, v10;
	v12 =	vsel vm0, $0x0, v12;
	vm0 =	vgt.f32 v8, $1.000000000e+01;
	v8 =	vld [tilespmem:s22+$0xC020]  }
0x8b: {  	v6 =	vld [tilespmem:s22+$0xC010];
	vm1 =	vgt.f32 v7, $1.000000000e+01;
	v7 =	vsel vm0, $0x0, v14;
	v11 =	vmul.f32 v12, v11  }
0x8c: {  	v1 =	vadd.f32 v5, v1;
	v12 =	vsel vm1, $0x0, v13;
	v7 =	vmul.f32 v7, v9;
	v9 =	vld [tilespmem:s22+$0x8010]  }
0x8d: {  	s21 =	simm.s32 $0x0;
	v10 =	vmul.f32 v12, v10;
	v12 =	vld [tilespmem:s22+$0x8020];
	v3 =	vadd.f32 v11, v3;
	v5 =	vand.u32 $0x7FFFFFFF, v15  }
0x8e: {  	v14 =	vld [tilespmem:s22+$0x8000];
	[tilespmem:s14], [sflag:$0x2] =	stream.linear.gather [hbm4b:s9+s21], $0x4000, $0x38;
	v11 =	vsub.f32 v16, v15;
	v4 =	vadd.f32 v7, v4;
	v13 =	vand.u32 $0x7FFFFFFF, v17  }
0x8f: {  	vm0 =	vgt.f32 v5, $5.000000000e-01;
	vm1 =	vgt.f32 v5, $1.000000000e+00;
	v15 =	vand.u32 $0x7FFFFFFF, v8  }
0x90: {  	[tilespmem:s15], [sflag:$0x2] =	stream.linear.gather [hbm4b:s10+s21], $0x4000, $0x38;
	v7 =	vsel vm0, $0x40000000, v0;
	vm0 =	vgt.f32 v5, $1.000000000e+01;
	vm2 =	vgt.f32 v15, $5.000000000e-01;
	[tilespmem:$0x10080] =	vst v63  }
0x91: {  	_ =	swait.ge [sflag:s16], $0x4000;
	v5 =	vsel vm1, $0x3F800000, v7;
	v7 =	vmul.f32 v11, v11;
	v11 =	vand.u32 $0x7FFFFFFF, v6  }
0x92: {  	[sflag:s16] =	ssyncset.done $0x0;
	v6 =	vsub.f32 v9, v6;
	v8 =	vsub.f32 v12, v8;
	v5 =	vsel vm0, $0x0, v5  }
0x93: {  	[sflag:s16] =	ssyncadd.s32 $0xFFFFC000;
	vm0 =	vgt.f32 v13, $5.000000000e-01;
	vm1 =	vgt.f32 v11, $5.000000000e-01;
	v5 =	vmul.f32 v5, v7  }
0x94: {  	_ =	swait.ge [sflag:s16], $0x4000;
	v7 =	vsub.f32 v14, v17;
	v9 =	vsel vm0, $0x40000000, v0;
	vm0 =	vgt.f32 v13, $1.000000000e+00  }
0x95: {  	v12 =	vsel vm1, $0x40000000, v0;
	v14 =	vsel vm2, $0x40000000, v0;
	[sflag:s16] =	ssyncset.done $0x0;
	vm1 =	vgt.f32 v15, $1.000000000e+00  }
0x96: {  	s30 =	simm.s32 $0x0;
	v6 =	vmul.f32 v6, v6;
	v8 =	vmul.f32 v8, v8;
	v9 =	vsel vm0, $0x3F800000, v9;
	[sflag:s16] =	ssyncadd.s32 $0xFFFFC000  }
0x97: {  	vm0 =	vgt.f32 v11, $1.000000000e+00;
	v14 =	vsel vm1, $0x3F800000, v14;
	vm1 =	vgt.f32 v15, $1.000000000e+01;
	v61 =	vld [tilespmem:s30+$0x4030]  }
0x98: {  	v7 =	vmul.f32 v7, v7;
	v12 =	vsel vm0, $0x3F800000, v12;
	vm0 =	vgt.f32 v13, $1.000000000e+01;
	v13 =	vld [tilespmem:s30+$0x30]  }
0x99: {  	v2 =	vadd.f32 v5, v2;
	v5 =	vld [tilespmem:s30+$0x4020];
	v9 =	vsel vm0, $0x0, v9;
	vm0 =	vgt.f32 v11, $1.000000000e+01  }
0x9a: {  	v11 =	vld [tilespmem:s30+$0x4000];
	v7 =	vmul.f32 v9, v7;
	v9 =	vsel vm0, $0x0, v12;
	v12 =	vsel vm1, $0x0, v14  }
0x9b: {  	v1 =	vadd.f32 v10, v1;
	v6 =	vmul.f32 v9, v6;
	v8 =	vmul.f32 v12, v8  }
0x9c: {  	v9 =	vld [tilespmem:s30+$0x4010];
	v3 =	vadd.f32 v7, v3  }
0x9d: {  	v4 =	vadd.f32 v6, v4;
	v1 =	vadd.f32 v8, v1;
	v6 =	vld [tilespmem:s30+$0x0];
	v7 =	vand.u32 $0x7FFFFFFF, v61  }
0x9e: {  	v8 =	vld [tilespmem:s30+$0x10];
	v10 =	vsub.f32 v13, v61;
	v15 =	vand.u32 $0x7FFFFFFF, v5;
	vm0 =	vgt.f32 v7, $5.000000000e-01  }
0x9f: {  	v13 =	vld [tilespmem:s30+$0x20];
	v12 =	vand.u32 $0x7FFFFFFF, v11;
	vm1 =	vgt.f32 v7, $1.000000000e+00;
	v14 =	vsel vm0, $0x40000000, v0  }
0xa0: {  	vm0 =	vgt.f32 v7, $1.000000000e+01;
	v10 =	vmul.f32 v10, v10;
	v7 =	vsel vm1, $0x3F800000, v14  }
0xa1: {  	vm2 =	vgt.f32 v15, $5.000000000e-01;
	v14 =	vand.u32 $0x7FFFFFFF, v9;
	v7 =	vsel vm0, $0x0, v7  }
0xa2: {  	vm0 =	vgt.f32 v12, $5.000000000e-01;
	vm1 =	vgt.f32 v14, $5.000000000e-01;
	v7 =	vmul.f32 v7, v10  }
0xa3: {  	v6 =	vsub.f32 v6, v11;
	v8 =	vsub.f32 v8, v9;
	v9 =	vsel vm0, $0x40000000, v0  }
0xa4: {  	s31 =	simm.s32 $0x40;
	v5 =	vsub.f32 v13, v5;
	vm0 =	vgt.f32 v12, $1.000000000e+00;
	v10 =	vsel vm1, $0x40000000, v0  }
0xa5: {  	v62 =	vld [tilespmem:s31+$0x30];
	v11 =	vsel vm2, $0x40000000, v0;
	vm1 =	vgt.f32 v15, $1.000000000e+00;
	v9 =	vsel vm0, $0x3F800000, v9  }
0xa6: {  	v13 =	vld [tilespmem:s31+$0x4030];
	vm0 =	vgt.f32 v14, $1.000000000e+00;
	v11 =	vsel vm1, $0x3F800000, v11;
	vm1 =	vgt.f32 v15, $1.000000000e+01  }
0xa7: {  	v6 =	vmul.f32 v6, v6;
	v10 =	vsel vm0, $0x3F800000, v10;
	vm0 =	vgt.f32 v12, $1.000000000e+01  }
0xa8: {  	v8 =	vmul.f32 v8, v8;
	v5 =	vmul.f32 v5, v5;
	v12 =	vld [tilespmem:s31+$0x4000];
	v2 =	vadd.f32 v7, v2  }
0xa9: {  	v7 =	vsel vm1, $0x0, v11;
	v9 =	vsel vm0, $0x0, v9;
	vm0 =	vgt.f32 v14, $1.000000000e+01;
	v14 =	vld [tilespmem:s31+$0x4010]  }
0xaa: {  	v6 =	vmul.f32 v9, v6;
	v9 =	vsel vm0, $0x0, v10;
	v10 =	vld [tilespmem:s31+$0x4020];
	v5 =	vmul.f32 v7, v5  }
0xab: {  	v15 =	vld [tilespmem:s31+$0x10];
	v8 =	vmul.f32 v9, v8;
	v7 =	vand.u32 $0x7FFFFFFF, v13;
	v11 =	vsub.f32 v62, v13  }
0xac: {  	v9 =	vld [tilespmem:s31+$0x0];
	v3 =	vadd.f32 v6, v3;
	vm0 =	vgt.f32 v7, $5.000000000e-01;
	vm1 =	vgt.f32 v7, $1.000000000e+00  }
0xad: {  	v13 =	vld [tilespmem:s31+$0x20];
	v4 =	vadd.f32 v8, v4;
	v6 =	vand.u32 $0x7FFFFFFF, v12;
	v8 =	vsel vm0, $0x40000000, v0  }
0xae: {  	vm0 =	vgt.f32 v7, $1.000000000e+01;
	v11 =	vmul.f32 v11, v11;
	v63 =	vsel vm1, $0x3F800000, v8  }
0xaf: {  	v8 =	vand.u32 $0x7FFFFFFF, v14;
	v7 =	vand.u32 $0x7FFFFFFF, v10;
	v16 =	vsel vm0, $0x0, v63  }
0xb0: {  	vm0 =	vgt.f32 v6, $5.000000000e-01;
	vm1 =	vgt.f32 v8, $5.000000000e-01;
	v16 =	vmul.f32 v16, v11  }
0xb1: {  	v11 =	vsub.f32 v9, v12;
	v9 =	vsub.f32 v15, v14;
	vm2 =	vgt.f32 v7, $5.000000000e-01  }
0xb2: {  	v12 =	vsel vm0, $0x40000000, v0;
	v10 =	vsub.f32 v13, v10;
	vm0 =	vgt.f32 v6, $1.000000000e+00  }
0xb3: {  	v13 =	vsel vm1, $0x40000000, v0;
	vm1 =	vgt.f32 v7, $1.000000000e+00;
	v14 =	vsel vm2, $0x40000000, v0  }
0xb4: {  	s22 =	simm.s32 $0x300;
	s21 =	simm.s32 $0x80;
	v12 =	vsel vm0, $0x3F800000, v12;
	vm0 =	vgt.f32 v8, $1.000000000e+00;
	v2 =	vadd.f32 v16, v2  }
.LBB2_6:
0xb5: {  	p0 =	sne.s32 s22, $0xFF00;
	v15 =	vld [tilespmem:s21+$0x4030];
	v11 =	vmul.f32 v11, v11;
	v13 =	vsel vm0, $0x3F800000, v13;
	v14 =	vsel vm1, $0x3F800000, v14  }
0xb6: {  	vm0 =	vgt.f32 v6, $1.000000000e+01;
	v6 =	vmul.f32 v9, v9;
	v9 =	vmul.f32 v10, v10;
	v16 =	vld [tilespmem:s21+$0x30]  }
0xb7: {  	vm1 =	vgt.f32 v7, $1.000000000e+01;
	v12 =	vsel vm0, $0x0, v12;
	vm0 =	vgt.f32 v8, $1.000000000e+01;
	v10 =	vld [tilespmem:s21+$0x4000]  }
0xb8: {  	v7 =	vmul.f32 v12, v11;
	v8 =	vsel vm0, $0x0, v13;
	v11 =	vsel vm1, $0x0, v14;
	v17 =	vld [tilespmem:s21+$0x4010]  }
0xb9: {  	v1 =	vadd.f32 v5, v1;
	v6 =	vmul.f32 v8, v6;
	v5 =	vmul.f32 v11, v9;
	v12 =	vld [tilespmem:s21+$0x4020]  }
0xba: {  	v3 =	vadd.f32 v7, v3;
	v9 =	vld [tilespmem:s21+$0x0];
	v8 =	vand.u32 $0x7FFFFFFF, v15  }
0xbb: {  	v4 =	vadd.f32 v6, v4;
	v13 =	vld [tilespmem:s21+$0x10];
	v7 =	vsub.f32 v16, v15;
	vm0 =	vgt.f32 v8, $5.000000000e-01  }
0xbc: {  	vm1 =	vgt.f32 v8, $1.000000000e+00;
	v6 =	vand.u32 $0x7FFFFFFF, v10;
	v14 =	vld [tilespmem:s21+$0x20];
	v11 =	vsel vm0, $0x40000000, v0  }
0xbd: {  	vm0 =	vgt.f32 v8, $1.000000000e+01;
	v11 =	vsel vm1, $0x3F800000, v11;
	v15 =	vmul.f32 v7, v7  }
0xbe: {  	v8 =	vand.u32 $0x7FFFFFFF, v17;
	v7 =	vand.u32 $0x7FFFFFFF, v12;
	v11 =	vsel vm0, $0x0, v11  }
.Ltmp2:
0xbf: {  	vm0 =	vgt.f32 v6, $5.000000000e-01;
	vm1 =	vgt.f32 v8, $5.000000000e-01;
	v15 =	vmul.f32 v11, v15;
	(pc) =	sbr.rel @p0 .LBB2_6-.Ltmp2, $4  }
0xc0: {  	v11 =	vsub.f32 v9, v10;
	vm2 =	vgt.f32 v7, $5.000000000e-01;
	v9 =	vsub.f32 v13, v17  }
0xc1: {  	v16 =	vsel vm0, $0x40000000, v0;
	v10 =	vsub.f32 v14, v12;
	v2 =	vadd.f32 v15, v2  }
0xc2: {  	vm0 =	vgt.f32 v6, $1.000000000e+00;
	v13 =	vsel vm1, $0x40000000, v0;
	v14 =	vsel vm2, $0x40000000, v0  }
0xc3: {  	s21 =	sshra.s32 s22, $0x2;
	s22 =	sadd.s32 $0x100, s22;
	vm1 =	vgt.f32 v7, $1.000000000e+00;
	v12 =	vsel vm0, $0x3F800000, v16;
	vm0 =	vgt.f32 v8, $1.000000000e+00  }
0xc4: {  	v15 =	vld [tilespmem:s21+$0x4030];
	v11 =	vmul.f32 v11, v11  }
0xc5: {  	v13 =	vsel vm0, $0x3F800000, v13;
	v14 =	vsel vm1, $0x3F800000, v14;
	v16 =	vld [tilespmem:s21+$0x30];
	vm0 =	vgt.f32 v6, $1.000000000e+01  }
0xc6: {  	v6 =	vmul.f32 v9, v9;
	v9 =	vmul.f32 v10, v10;
	v10 =	vld [tilespmem:s21+$0x4000];
	vm1 =	vgt.f32 v8, $1.000000000e+01  }
0xc7: {  	v1 =	vadd.f32 v5, v1;
	v5 =	vld [tilespmem:s21+$0x0];
	v8 =	vsel vm0, $0x0, v12;
	v12 =	vsel vm1, $0x0, v13  }
0xc8: {  	vm0 =	vgt.f32 v7, $1.000000000e+01;
	v13 =	vld [tilespmem:s21+$0x4020];
	v8 =	vmul.f32 v8, v11;
	v6 =	vmul.f32 v12, v6  }
0xc9: {  	v11 =	vsel vm0, $0x0, v14  }
0xca: {  	v7 =	vld [tilespmem:s21+$0x4010];
	v9 =	vmul.f32 v11, v9;
	v3 =	vadd.f32 v8, v3;
	v4 =	vadd.f32 v6, v4  }
0xcb: {  	v8 =	vld [tilespmem:s21+$0x10];
	v11 =	vand.u32 $0x7FFFFFFF, v15;
	v12 =	vsub.f32 v16, v15;
	v15 =	vand.u32 $0x7FFFFFFF, v10  }
0xcc: {  	v6 =	vld [tilespmem:s21+$0x20];
	v5 =	vsub.f32 v5, v10;
	v1 =	vadd.f32 v9, v1;
	vm0 =	vgt.f32 v11, $5.000000000e-01  }
0xcd: {  	vm1 =	vgt.f32 v11, $1.000000000e+00;
	v61 =	vand.u32 $0x7FFFFFFF, v13;
	v14 =	vsel vm0, $0x40000000, v0  }
0xce: {  	_ =	swait.ge [sflag:s17], $0x4000;
	vm0 =	vgt.f32 v11, $1.000000000e+01;
	v12 =	vmul.f32 v12, v12;
	vm2 =	vgt.f32 v61, $5.000000000e-01  }
0xcf: {  	[sflag:s17] =	ssyncset.done $0x0;
	v5 =	vmul.f32 v5, v5;
	v11 =	vsel vm1, $0x3F800000, v14;
	v14 =	vand.u32 $0x7FFFFFFF, v7  }
0xd0: {  	[sflag:s17] =	ssyncadd.s32 $0xFFFFC000;
	v11 =	vsel vm0, $0x0, v11;
	vm0 =	vgt.f32 v15, $5.000000000e-01;
	vm1 =	vgt.f32 v14, $5.000000000e-01  }
0xd1: {  	_ =	swait.ge [sflag:s17], $0x4000;
	v7 =	vsub.f32 v8, v7;
	v6 =	vsub.f32 v6, v13;
	v11 =	vmul.f32 v11, v12  }
0xd2: {  	[sflag:s17] =	ssyncset.done $0x0;
	v8 =	vsel vm0, $0x40000000, v0;
	vm0 =	vgt.f32 v15, $1.000000000e+00;
	v10 =	vsel vm1, $0x40000000, v0  }
0xd3: {  	s30 =	simm.s32 $0x0;
	[sflag:s17] =	ssyncadd.s32 $0xFFFFC000;
	v12 =	vsel vm2, $0x40000000, v0;
	vm1 =	vgt.f32 v61, $1.000000000e+00;
	v8 =	vsel vm0, $0x3F800000, v8  }
0xd4: {  	v13 =	vld [tilespmem:s30+$0xC030];
	vm0 =	vgt.f32 v14, $1.000000000e+00;
	v12 =	vsel vm1, $0x3F800000, v12;
	v7 =	vmul.f32 v7, v7  }
0xd5: {  	v6 =	vmul.f32 v6, v6;
	v10 =	vsel vm0, $0x3F800000, v10;
	vm0 =	vgt.f32 v15, $1.000000000e+01;
	v15 =	vld [tilespmem:s30+$0x8030]  }
0xd6: {  	vm1 =	vgt.f32 v61, $1.000000000e+01;
	v8 =	vsel vm0, $0x0, v8;
	vm0 =	vgt.f32 v14, $1.000000000e+01;
	v14 =	vld [tilespmem:s30+$0xC000]  }
0xd7: {  	v9 =	vld [tilespmem:s30+$0x8010];
	v5 =	vmul.f32 v8, v5;
	v8 =	vsel vm0, $0x0, v10;
	v10 =	vsel vm1, $0x0, v12  }
0xd8: {  	v7 =	vmul.f32 v8, v7;
	v6 =	vmul.f32 v10, v6;
	v8 =	vld [tilespmem:s30+$0xC010]  }
0xd9: {  	v2 =	vadd.f32 v11, v2;
	v3 =	vadd.f32 v5, v3;
	v5 =	vld [tilespmem:s30+$0xC020]  }
0xda: {  	v12 =	vld [tilespmem:s30+$0x8020];
	v4 =	vadd.f32 v7, v4;
	v1 =	vadd.f32 v6, v1;
	v7 =	vand.u32 $0x7FFFFFFF, v13  }
0xdb: {  	v6 =	vld [tilespmem:s30+$0x8000];
	v10 =	vsub.f32 v15, v13;
	vm0 =	vgt.f32 v7, $5.000000000e-01;
	v11 =	vand.u32 $0x7FFFFFFF, v14  }
0xdc: {  	vm1 =	vgt.f32 v7, $1.000000000e+00;
	v13 =	vsel vm0, $0x40000000, v0;
	vm0 =	vgt.f32 v7, $1.000000000e+01  }
0xdd: {  	v10 =	vmul.f32 v10, v10;
	v7 =	vsel vm1, $0x3F800000, v13;
	v13 =	vand.u32 $0x7FFFFFFF, v8  }
0xde: {  	v8 =	vsub.f32 v9, v8;
	v15 =	vand.u32 $0x7FFFFFFF, v5;
	v7 =	vsel vm0, $0x0, v7  }
0xdf: {  	vm0 =	vgt.f32 v11, $5.000000000e-01;
	vm1 =	vgt.f32 v13, $5.000000000e-01;
	v5 =	vsub.f32 v12, v5  }
0xe0: {  	v7 =	vmul.f32 v7, v10;
	v6 =	vsub.f32 v6, v14;
	vm2 =	vgt.f32 v15, $5.000000000e-01  }
0xe1: {  	s31 =	simm.s32 $0x40;
	v9 =	vsel vm0, $0x40000000, v0;
	vm0 =	vgt.f32 v11, $1.000000000e+00;
	v10 =	vsel vm1, $0x40000000, v0  }
0xe2: {  	v62 =	vld [tilespmem:s31+$0x8030];
	vm1 =	vgt.f32 v15, $1.000000000e+00;
	v8 =	vmul.f32 v8, v8;
	v12 =	vsel vm2, $0x40000000, v0  }
0xe3: {  	v14 =	vld [tilespmem:s31+$0xC030];
	v9 =	vsel vm0, $0x3F800000, v9;
	vm0 =	vgt.f32 v13, $1.000000000e+00;
	v5 =	vmul.f32 v5, v5  }
0xe4: {  	v6 =	vmul.f32 v6, v6;
	v10 =	vsel vm0, $0x3F800000, v10;
	vm0 =	vgt.f32 v11, $1.000000000e+01;
	v11 =	vld [tilespmem:s31+$0xC000]  }
0xe5: {  	v12 =	vsel vm1, $0x3F800000, v12;
	vm1 =	vgt.f32 v15, $1.000000000e+01;
	v2 =	vadd.f32 v7, v2;
	v15 =	vld [tilespmem:s31+$0x8020]  }
0xe6: {  	v9 =	vsel vm0, $0x0, v9;
	vm0 =	vgt.f32 v13, $1.000000000e+01;
	v13 =	vld [tilespmem:s31+$0xC010];
	v7 =	vsel vm1, $0x0, v12  }
0xe7: {  	v6 =	vmul.f32 v9, v6;
	v9 =	vsel vm0, $0x0, v10;
	v10 =	vld [tilespmem:s31+$0xC020];
	v5 =	vmul.f32 v7, v5  }
0xe8: {  	v12 =	vld [tilespmem:s31+$0x8010];
	v8 =	vmul.f32 v9, v8;
	v7 =	vand.u32 $0x7FFFFFFF, v14;
	v14 =	vsub.f32 v62, v14  }
0xe9: {  	v9 =	vld [tilespmem:s31+$0x8000];
	v3 =	vadd.f32 v6, v3;
	vm0 =	vgt.f32 v7, $5.000000000e-01;
	vm1 =	vgt.f32 v7, $1.000000000e+00  }
0xea: {  	v4 =	vadd.f32 v8, v4;
	v6 =	vand.u32 $0x7FFFFFFF, v11;
	v8 =	vsel vm0, $0x40000000, v0  }
0xeb: {  	vm0 =	vgt.f32 v7, $1.000000000e+01;
	v14 =	vmul.f32 v14, v14;
	v63 =	vsel vm1, $0x3F800000, v8  }
0xec: {  	v8 =	vand.u32 $0x7FFFFFFF, v13;
	v7 =	vand.u32 $0x7FFFFFFF, v10;
	v16 =	vsel vm0, $0x0, v63  }
0xed: {  	vm0 =	vgt.f32 v6, $5.000000000e-01;
	vm1 =	vgt.f32 v8, $5.000000000e-01;
	v10 =	vsub.f32 v15, v10  }
0xee: {  	v14 =	vmul.f32 v16, v14;
	v11 =	vsub.f32 v9, v11;
	v9 =	vsub.f32 v12, v13  }
0xef: {  	vm2 =	vgt.f32 v7, $5.000000000e-01;
	v12 =	vsel vm0, $0x40000000, v0;
	vm0 =	vgt.f32 v6, $1.000000000e+00  }
0xf0: {  	v13 =	vsel vm1, $0x40000000, v0;
	vm1 =	vgt.f32 v7, $1.000000000e+00;
	v12 =	vsel vm0, $0x3F800000, v12  }
0xf1: {  	s22 =	simm.s32 $0x300;
	s21 =	simm.s32 $0x80;
	vm0 =	vgt.f32 v8, $1.000000000e+00;
	v2 =	vadd.f32 v14, v2;
	v14 =	vsel vm2, $0x40000000, v0  }
.LBB2_8:
0xf2: {  	p0 =	sne.s32 s22, $0xFF00;
	v15 =	vld [tilespmem:s21+$0xC030];
	v11 =	vmul.f32 v11, v11;
	v13 =	vsel vm0, $0x3F800000, v13;
	v14 =	vsel vm1, $0x3F800000, v14  }
0xf3: {  	vm0 =	vgt.f32 v6, $1.000000000e+01;
	v6 =	vmul.f32 v9, v9;
	v9 =	vmul.f32 v10, v10;
	v16 =	vld [tilespmem:s21+$0x8030]  }
0xf4: {  	vm1 =	vgt.f32 v7, $1.000000000e+01;
	v12 =	vsel vm0, $0x0, v12;
	vm0 =	vgt.f32 v8, $1.000000000e+01;
	v10 =	vld [tilespmem:s21+$0xC000]  }
0xf5: {  	v7 =	vmul.f32 v12, v11;
	v8 =	vsel vm0, $0x0, v13;
	v11 =	vsel vm1, $0x0, v14;
	v17 =	vld [tilespmem:s21+$0xC010]  }
0xf6: {  	v1 =	vadd.f32 v5, v1;
	v6 =	vmul.f32 v8, v6;
	v5 =	vmul.f32 v11, v9;
	v12 =	vld [tilespmem:s21+$0xC020]  }
0xf7: {  	v3 =	vadd.f32 v7, v3;
	v9 =	vld [tilespmem:s21+$0x8000];
	v8 =	vand.u32 $0x7FFFFFFF, v15  }
0xf8: {  	v4 =	vadd.f32 v6, v4;
	v13 =	vld [tilespmem:s21+$0x8010];
	v7 =	vsub.f32 v16, v15;
	vm0 =	vgt.f32 v8, $5.000000000e-01  }
0xf9: {  	vm1 =	vgt.f32 v8, $1.000000000e+00;
	v6 =	vand.u32 $0x7FFFFFFF, v10;
	v14 =	vld [tilespmem:s21+$0x8020];
	v11 =	vsel vm0, $0x40000000, v0  }
0xfa: {  	vm0 =	vgt.f32 v8, $1.000000000e+01;
	v11 =	vsel vm1, $0x3F800000, v11;
	v15 =	vmul.f32 v7, v7  }
0xfb: {  	v8 =	vand.u32 $0x7FFFFFFF, v17;
	v7 =	vand.u32 $0x7FFFFFFF, v12;
	v11 =	vsel vm0, $0x0, v11  }
.Ltmp3:
0xfc: {  	vm0 =	vgt.f32 v6, $5.000000000e-01;
	vm1 =	vgt.f32 v8, $5.000000000e-01;
	v15 =	vmul.f32 v11, v15;
	(pc) =	sbr.rel @p0 .LBB2_8-.Ltmp3, $4  }
0xfd: {  	v11 =	vsub.f32 v9, v10;
	vm2 =	vgt.f32 v7, $5.000000000e-01;
	v9 =	vsub.f32 v13, v17  }
0xfe: {  	v16 =	vsel vm0, $0x40000000, v0;
	v10 =	vsub.f32 v14, v12;
	v2 =	vadd.f32 v15, v2  }
0xff: {  	vm0 =	vgt.f32 v6, $1.000000000e+00;
	v13 =	vsel vm1, $0x40000000, v0;
	v14 =	vsel vm2, $0x40000000, v0  }
0x100: {  	s21 =	sshra.s32 s22, $0x2;
	s22 =	sadd.s32 $0x100, s22;
	vm1 =	vgt.f32 v7, $1.000000000e+00;
	v12 =	vsel vm0, $0x3F800000, v16;
	vm0 =	vgt.f32 v8, $1.000000000e+00  }
0x101: {  	v15 =	vld [tilespmem:s21+$0xC030]  }
0x102: {  	v16 =	vld [tilespmem:s21+$0x8030]  }
0x103: {  	v43 =	vld [tilespmem:s21+$0xC000]  }
0x104: {  	v45 =	vld [tilespmem:s21+$0xC010]  }
0x105: {  	v11 =	vmul.f32 v11, v11;
	v13 =	vsel vm0, $0x3F800000, v13;
	v48 =	vld [tilespmem:s21+$0xC020]  }
0x106: {  	v14 =	vsel vm1, $0x3F800000, v14;
	vm14 =	vgt.f32 v6, $1.000000000e+01;
	v41 =	vmul.f32 v9, v9;
	v49 =	vld [tilespmem:s21+$0x8000]  }
0x107: {  	v42 =	vmul.f32 v10, v10;
	vm15 =	vgt.f32 v8, $1.000000000e+01;
	v51 =	vld [tilespmem:s21+$0x8010];
	v44 =	vsel vm14, $0x0, v12  }
0x108: {  	vm4 =	vgt.f32 v7, $1.000000000e+01;
	v53 =	vld [tilespmem:s21+$0x8020];
	v46 =	vsel vm15, $0x0, v13;
	v8 =	vmul.f32 v44, v11  }
0x109: {  	v47 =	vsel vm4, $0x0, v14;
	v6 =	vmul.f32 v46, v41  }
0x10a: {  	v1 =	vadd.f32 v5, v1;
	v9 =	vmul.f32 v47, v42;
	v3 =	vadd.f32 v8, v3  }
0x10b: {  	v4 =	vadd.f32 v6, v4;
	v50 =	vand.u32 $0x7FFFFFFF, v15;
	v52 =	vsub.f32 v16, v15  }
0x10c: {  	v55 =	vand.u32 $0x7FFFFFFF, v43;
	v57 =	vand.u32 $0x7FFFFFFF, v45;
	v5 =	vsub.f32 v49, v43  }
0x10d: {  	v58 =	vand.u32 $0x7FFFFFFF, v48;
	v7 =	vsub.f32 v51, v45;
	v6 =	vsub.f32 v53, v48  }
0x10e: {  	vm5 =	vgt.f32 v50, $5.000000000e-01;
	vm6 =	vgt.f32 v50, $1.000000000e+00;
	vm7 =	vgt.f32 v50, $1.000000000e+01  }
0x10f: {  	vm8 =	vgt.f32 v55, $5.000000000e-01;
	vm9 =	vgt.f32 v57, $5.000000000e-01;
	vm2 =	vgt.f32 v58, $5.000000000e-01  }
0x110: {  	vm10 =	vgt.f32 v55, $1.000000000e+00;
	vm11 =	vgt.f32 v57, $1.000000000e+00;
	vm12 =	vgt.f32 v58, $1.000000000e+00  }
0x111: {  	vm13 =	vgt.f32 v55, $1.000000000e+01;
	vm14 =	vgt.f32 v57, $1.000000000e+01;
	vm15 =	vgt.f32 v58, $1.000000000e+01  }
0x112: {  	v54 =	vsel vm5, $0x40000000, v0;
	v12 =	vmul.f32 v52, v52;
	v59 =	vsel vm8, $0x40000000, v0  }
0x113: {  	v60 =	vsel vm9, $0x40000000, v0;
	v61 =	vsel vm2, $0x40000000, v0;
	v5 =	vmul.f32 v5, v5  }
0x114: {  	v7 =	vmul.f32 v7, v7;
	v6 =	vmul.f32 v6, v6;
	v56 =	vsel vm6, $0x3F800000, v54  }
0x115: {  	v8 =	vsel vm10, $0x3F800000, v59;
	v10 =	vsel vm11, $0x3F800000, v60;
	v11 =	vsel vm7, $0x0, v56  }
0x116: {  	v8 =	vsel vm13, $0x0, v8;
	v11 =	vmul.f32 v11, v12;
	v12 =	vsel vm12, $0x3F800000, v61  }
0x117: {  	v62 =	vsel vm14, $0x0, v10;
	v5 =	vmul.f32 v8, v5;
	v63 =	vsel vm15, $0x0, v12  }
0x118: {  	v1 =	vadd.f32 v9, v1;
	v7 =	vmul.f32 v62, v7;
	v6 =	vmul.f32 v63, v6  }
0x119: {  	v2 =	vadd.f32 v11, v2;
	v3 =	vadd.f32 v5, v3  }
0x11a: {  	v4 =	vadd.f32 v7, v4;
	v1 =	vadd.f32 v6, v1;
	_ =	sdelay $0x1  }
0x11b: {  	v3 =	vadd.f32 v4, v3;
	v1 =	vadd.f32 v2, v1;
	_ =	sdelay $0x1  }
0x11c: {  	s20 =	sadd.s32 $0x1, s20;
	v1 =	vadd.f32 v1, v3  }
0x11d: {  	p0 =	sne.s32 s20, s12  }
.Ltmp4:
0x11e: {  	[tilespmem:$0x10000] =	vst v1;
	(pc) =	sbr.rel @p0 .LBB2_1-.Ltmp4, $4  }
0x11f: {  	[hbm4b:s11+s2] =	stream.linear.scatter [tilespmem:s18], [sflag:$0x3], $0x10, $0x38;
	[tilespmem:$0x10080] =	vst v63  }
0x120: {  	_ =	swait.ge [sflag:s19], $0x10  }
0x121: {  	[sflag:s19] =	ssyncset.done $0x0  }
0x122: {  	[sflag:s19] =	ssyncadd.s32 $0xFFFFFFF0  }
0x123: {  	_ =	sfence.sel $0x180000  }
0x124: {  	[bflag:$0x0] =	sbarrier.arrive $0xFFFF  }
0x125: {  	p0 =	sne.s32 s0, $0x0;
	_ =	strace $0x90000047  }
0x126: {  	s0 =	sadd.s32 @!p0 $0x100000, s1;
	[bflag:$0x2] =	sbarrier.arrive $0xFFFF  }
0x127: {  	[sflag:s0] =	ssyncadd.tile.s32 @!p0 $0x1;
	_ =	shalt  }
.Lfunc_end2:
_tile_overlayer_lowered:
.L_overlay_start_2:
0x128: {  	(tag) =	ssettag $0x2  }
0x129: {  	s0 =	rddreg [dreg:$0x0];
	s2 =	stileid.u32  }
0x12a: {  	s1 =	rddreg [dreg:$0x1];
	p0 =	sne.s32 s2, $0x0  }
0x12b: {  	s3 =	rddreg [dreg:$0x2];
	[bflag:$0x3] =	sbarrier.arrive $0xFFFF;
	s2 =	simm.s32 @!p0 $0x1C03  }
0x12c: {  	[timem:s3], [sflag:s2] =	dma.local @!p0 [hbm:s0], s1  }
0x12d: {  	s0 =	simm.s32 @!p0 $0x3  }
0x12e: {  	_ =	swait.ge @!p0 [sflag:s0], s1  }
0x12f: {  	s1 =	ssub.s32 @!p0 $0x0, s1;
	[sflag:s0] =	ssyncset.done @!p0 $0x0  }
0x130: {  	[sflag:s0] =	ssyncadd.s32 @!p0 s1  }
0x131: {  	[bflag:$0x3] =	sbarrier.arrive $0xFFFF  }
0x132: {  	_ =	shalt  }

</sc_bundles>
